<compile_context>
chip_gen: v7x
topology: tpu7x:2x2x1
jax: 0.10.2.dev20260603
libtpu: 0.0.44.dev20260713+nightly
codegen_flags: <defaults>
</compile_context>

<pallas_src>
import functools

import jax
import jax.numpy as jnp
from jax import lax
from jax.experimental import pallas as pl
from jax.experimental.pallas import tpu as pltpu
from jax.experimental.pallas import tpu_sc as plsc

_VOCAB = 1000000
_DIM = 64
_BATCH = 4096
_NUM_SAMPLED = 8192

_NC = 2
_NS = 16
_NW = _NC * _NS

_TRUE_PER_W = _BATCH // _NW
_SAMP_PER_W = _NUM_SAMPLED // _NW


_TC_LOG = 14
_TCOLS = 1 << _TC_LOG
_TQ = _TCOLS // 4
_TGRID = -(-_VOCAB // _TCOLS)
_PK_ROWS = _TGRID * _TQ

_HI_MASK = -65536


def _pack_pair(a, b):
  ia = lax.bitcast_convert_type(
      a.astype(jnp.bfloat16).astype(jnp.float32), jnp.int32)
  ib = lax.bitcast_convert_type(
      b.astype(jnp.bfloat16).astype(jnp.float32), jnp.int32)
  return lax.bitcast_convert_type(
      lax.bitwise_or(ia, lax.shift_right_logical(ib, 16)), jnp.float32)


def _transpose_body(wt_ref, out_ref):
  x = wt_ref[...]
  xt = jnp.transpose(x)
  out_ref[:, 0:_DIM] = _pack_pair(xt[0:_TQ], xt[_TQ:2 * _TQ])
  out_ref[:, _DIM:2 * _DIM] = _pack_pair(xt[2 * _TQ:3 * _TQ], xt[3 * _TQ:])


def _tc_transpose(weights):
  wt = weights.T
  return pl.pallas_call(
      _transpose_body,
      grid=(_TGRID,),
      in_specs=[pl.BlockSpec((_DIM, _TCOLS), lambda j: (0, j))],
      out_specs=pl.BlockSpec((_TQ, 2 * _DIM), lambda j: (j, 0)),
      out_shape=jax.ShapeDtypeStruct((_PK_ROWS, 2 * _DIM), jnp.float32),
  )(wt)


def _packed_row(r):
  return lax.bitwise_or(
      lax.shift_left(lax.shift_right_logical(r, _TC_LOG), _TC_LOG - 2),
      lax.bitwise_and(r, _TQ - 1))


def _sc_gather(w_pk, biases, true_classes, sampled):
  mesh = plsc.VectorSubcoreMesh(core_axis_name="c", subcore_axis_name="s")

  @functools.partial(
      pl.kernel,
      out_type=[
          jax.ShapeDtypeStruct((_BATCH, 2 * _DIM), jnp.float32),
          jax.ShapeDtypeStruct((_BATCH,), jnp.float32),
          jax.ShapeDtypeStruct((_NUM_SAMPLED, 2 * _DIM), jnp.float32),
          jax.ShapeDtypeStruct((_NUM_SAMPLED,), jnp.float32),
      ],
      mesh=mesh,
      compiler_params=pltpu.CompilerParams(skip_device_barrier=True),
      scratch_types=[
          pltpu.VMEM((_TRUE_PER_W,), jnp.int32),
          pltpu.VMEM((_TRUE_PER_W,), jnp.int32),
          pltpu.VMEM((_TRUE_PER_W, 2 * _DIM), jnp.float32),
          pltpu.VMEM((_TRUE_PER_W,), jnp.float32),
          pltpu.VMEM((_SAMP_PER_W,), jnp.int32),
          pltpu.VMEM((_SAMP_PER_W,), jnp.int32),
          pltpu.VMEM((_SAMP_PER_W, 2 * _DIM), jnp.float32),
          pltpu.VMEM((_SAMP_PER_W,), jnp.float32),
          pltpu.SemaphoreType.DMA,
          pltpu.SemaphoreType.DMA,
          pltpu.SemaphoreType.DMA,
          pltpu.SemaphoreType.DMA,
      ],
  )
  def gather(w_hbm, b_hbm, tc_hbm, s_hbm,
             tw_out, tb_out, sw_out, sb_out,
             tidx_v, tgidx_v, trow_v, tb_v,
             sidx_v, sgidx_v, srow_v, sb_v,
             sem0, sem1, sem2, sem3):
    wid = lax.axis_index("s") * _NC + lax.axis_index("c")
    tbase = wid * _TRUE_PER_W
    sbase = wid * _SAMP_PER_W
    pltpu.sync_copy(tc_hbm.at[pl.ds(tbase, _TRUE_PER_W)], tidx_v)
    pltpu.sync_copy(s_hbm.at[pl.ds(sbase, _SAMP_PER_W)], sidx_v)
    for k in range(_TRUE_PER_W // 16):
      tgidx_v[pl.ds(16 * k, 16)] = _packed_row(tidx_v[pl.ds(16 * k, 16)])
    for k in range(_SAMP_PER_W // 16):
      sgidx_v[pl.ds(16 * k, 16)] = _packed_row(sidx_v[pl.ds(16 * k, 16)])
    c0 = pltpu.async_copy(w_hbm.at[tgidx_v], trow_v, sem0)
    c1 = pltpu.async_copy(w_hbm.at[sgidx_v], srow_v, sem1)
    c2 = pltpu.async_copy(b_hbm.at[tidx_v], tb_v, sem2)
    c3 = pltpu.async_copy(b_hbm.at[sidx_v], sb_v, sem3)
    c0.wait()
    c1.wait()
    c2.wait()
    c3.wait()
    pltpu.sync_copy(trow_v, tw_out.at[pl.ds(tbase, _TRUE_PER_W)])
    pltpu.sync_copy(tb_v, tb_out.at[pl.ds(tbase, _TRUE_PER_W)])
    pltpu.sync_copy(srow_v, sw_out.at[pl.ds(sbase, _SAMP_PER_W)])
    pltpu.sync_copy(sb_v, sb_out.at[pl.ds(sbase, _SAMP_PER_W)])

  return gather(w_pk, biases, true_classes, sampled)


_BB = 512
_SS = 2048


def _sel_half(wide, ids_col):
  lane_half = lax.bitwise_and(
      lax.shift_right_logical(ids_col, _TC_LOG - 1), 1)
  top_bot = lax.bitwise_and(
      lax.shift_right_logical(ids_col, _TC_LOG - 2), 1)
  w32 = jnp.where(lane_half == 1, wide[:, _DIM:2 * _DIM], wide[:, 0:_DIM])
  bits = lax.bitcast_convert_type(w32, jnp.int32)
  sel = jnp.where(top_bot == 1, lax.shift_left(bits, 16),
                  lax.bitwise_and(bits, jnp.int32(_HI_MASK)))
  return lax.bitcast_convert_type(sel, jnp.float32)


_LOG2E = 1.4426950408889634
_LN2 = 0.6931471805599453


def _softplus(z):
  return _LN2 * jnp.log2(1.0 + jnp.exp2(z * _LOG2E))


def _nce_body(x_ref, tw_ref, tbc_ref, tcc_ref, sw_ref, sb_ref,
              sid_ref, sidc_ref, out_ref, wsel_ref, csb_ref, xb_ref):
  i = pl.program_id(0)
  j = pl.program_id(1)

  @pl.when(i == 0)
  def _():
    wsel_ref[pl.ds(j * _SS, _SS), :] = _sel_half(
        sw_ref[...], sidc_ref[...]).astype(jnp.bfloat16)
    sid = sid_ref[...].astype(jnp.float32)
    q = (jnp.log(sid + 2.0) - jnp.log(sid + 1.0)) / jnp.log(_VOCAB + 1.0)
    csb_ref[:, pl.ds(j * _SS, _SS)] = (
        sb_ref[...] - jnp.log(_NUM_SAMPLED * q + 1e-12))

  @pl.when(j == 0)
  def _():
    xb_ref[...] = x_ref[...].astype(jnp.bfloat16)

  logits = lax.dot_general(
      xb_ref[...], wsel_ref[pl.ds(j * _SS, _SS), :],
      dimension_numbers=(((1,), (1,)), ((), ())),
      preferred_element_type=jnp.float32)
  sp = _softplus(logits + csb_ref[:, pl.ds(j * _SS, _SS)])
  ones = jnp.ones((_SS, 1), jnp.float32)
  part = lax.dot_general(sp, ones, (((1,), (0,)), ((), ())),
                         preferred_element_type=jnp.float32)

  @pl.when(j == 0)
  def _():
    tcid = tcc_ref[...].astype(jnp.float32)
    qt = (jnp.log(tcid + 2.0) - jnp.log(tcid + 1.0)) / jnp.log(_VOCAB + 1.0)
    tw = _sel_half(tw_ref[...], tcc_ref[...])
    tl = (jnp.sum(x_ref[...] * tw, axis=1, keepdims=True) + tbc_ref[...]
          - jnp.log(_NUM_SAMPLED * qt + 1e-12))
    out_ref[...] = _softplus(-tl) + part

  @pl.when(j > 0)
  def _():
    out_ref[...] += part


def _tc_loss(inputs, true_w, true_b, true_classes, sampled_w, sampled_b,
             sampled):
  grid = (_BATCH // _BB, _NUM_SAMPLED // _SS)
  out = pl.pallas_call(
      _nce_body,
      grid=grid,
      in_specs=[
          pl.BlockSpec((_BB, _DIM), lambda i, j: (i, 0)),
          pl.BlockSpec((_BB, 2 * _DIM), lambda i, j: (i, 0)),
          pl.BlockSpec((_BB, 1), lambda i, j: (i, 0)),
          pl.BlockSpec((_BB, 1), lambda i, j: (i, 0)),
          pl.BlockSpec((_SS, 2 * _DIM), lambda i, j: (j, 0)),
          pl.BlockSpec((1, _SS), lambda i, j: (0, j)),
          pl.BlockSpec((1, _SS), lambda i, j: (0, j)),
          pl.BlockSpec((_SS, 1), lambda i, j: (j, 0)),
      ],
      out_specs=pl.BlockSpec((_BB, 1), lambda i, j: (i, 0)),
      out_shape=jax.ShapeDtypeStruct((_BATCH, 1), jnp.float32),
      scratch_shapes=[
          pltpu.VMEM((_NUM_SAMPLED, _DIM), jnp.bfloat16),
          pltpu.VMEM((1, _NUM_SAMPLED), jnp.float32),
          pltpu.VMEM((_BB, _DIM), jnp.bfloat16),
      ],
      compiler_params=pltpu.CompilerParams(
          dimension_semantics=("arbitrary", "arbitrary")),
  )(inputs, true_w, true_b.reshape(_BATCH, 1),
    true_classes.reshape(_BATCH, 1),
    sampled_w, sampled_b.reshape(1, _NUM_SAMPLED),
    sampled.reshape(1, _NUM_SAMPLED), sampled.reshape(_NUM_SAMPLED, 1))
  return out.reshape(_BATCH)


def kernel(inputs, true_classes, sampled, weights, biases):
  w_pk = _tc_transpose(weights)
  true_w, true_b, sampled_w, sampled_b = _sc_gather(
      w_pk, biases, true_classes, sampled)
  return _tc_loss(inputs, true_w, true_b, true_classes, sampled_w,
                  sampled_b, sampled)

# --- scband reference (transcript-rebuilt; emitter-appended) ---
"""Pipeline reference for scband-lookup-nce-27822798144032 (READ-ONLY COPY).

The authoritative reference and input builder live on the scoring server;
editing this copy changes nothing except your own understanding.
"""

import jax, jax.numpy as jnp
import numpy as np

VOCAB = 1000000
DIM = 64
BATCH = 4096
NUM_SAMPLED = 8192


def setup_inputs(seed: int = 0) -> dict:
    key = jax.random.key(seed)
    k1, k2, k3, k4, k5 = jax.random.split(key, 5)
    inputs = jax.random.normal(k1, (BATCH, DIM), dtype=jnp.float32)
    true_classes = jax.random.randint(k2, (BATCH,), 0, VOCAB, dtype=jnp.int32)
    sampled = jax.random.randint(k3, (NUM_SAMPLED,), 0, VOCAB, dtype=jnp.int32)
    weights = jax.random.normal(k4, (VOCAB, DIM), dtype=jnp.float32) * 0.05
    biases = jax.random.normal(k5, (VOCAB,), dtype=jnp.float32) * 0.01
    return {"inputs": inputs, "true_classes": true_classes, "sampled": sampled, "weights": weights, "biases": biases}


def _log_uniform_prob(classes):
    c = classes.astype(jnp.float32)
    return (jnp.log(c + 2.0) - jnp.log(c + 1.0)) / jnp.log(float(VOCAB) + 1.0)


def reference(inputs, true_classes, sampled, weights, biases):
    # Faithful port of TF nce_loss with shared weights/bias and lookup indices.
    S = sampled.shape[0]
    # gather true-class rows (memory-bound embedding lookup into 1M-row table)
    true_w = jnp.take(weights, true_classes, axis=0)            # [B, D]
    true_b = jnp.take(biases, true_classes, axis=0)             # [B]
    true_logits = jnp.sum(inputs * true_w, axis=-1) + true_b    # [B]
    # gather sampled (negative) rows
    sampled_w = jnp.take(weights, sampled, axis=0)              # [S, D]
    sampled_b = jnp.take(biases, sampled, axis=0)               # [S]
    sampled_logits = inputs @ sampled_w.T + sampled_b[None, :]  # [B, S]
    # subtract log expected counts (log-uniform candidate sampler correction)
    true_logits = true_logits - jnp.log(S * _log_uniform_prob(true_classes) + 1e-12)
    sampled_logits = sampled_logits - jnp.log(S * _log_uniform_prob(sampled) + 1e-12)[None, :]
    # sigmoid cross entropy: label 1 for true, 0 for sampled
    true_xent = jax.nn.softplus(-true_logits)                   # [B]
    sampled_xent = jax.nn.softplus(sampled_logits)              # [B, S]
    nce_loss = true_xent + jnp.sum(sampled_xent, axis=-1)       # [B] per-example NCE loss
    return nce_loss

if __name__ == "__main__":
    import jax
    _d = setup_inputs()
    print(jax.jit(kernel)(*tuple(_d.values())))

</pallas_src>

<mosaic_0001>
#map = affine_map<(d0, d1) -> (0, 0)>
#map1 = affine_map<(d0, d1) -> (0)>
module attributes {stable_mosaic.version = 14 : i64} {
  func.func @gather(%arg0: i32, %arg1: i32, %arg2: memref<253952x128xf32, #tpu.memory_space<hbm>>, %arg3: memref<1000000xf32, #tpu.memory_space<hbm>>, %arg4: memref<4096xi32, #tpu.memory_space<hbm>>, %arg5: memref<8192xi32, #tpu.memory_space<hbm>>, %arg6: memref<4096x128xf32, #tpu.memory_space<hbm>>, %arg7: memref<4096xf32, #tpu.memory_space<hbm>>, %arg8: memref<8192x128xf32, #tpu.memory_space<hbm>>, %arg9: memref<8192xf32, #tpu.memory_space<hbm>>, %arg10: memref<128xi32, #tpu.memory_space<vmem>>, %arg11: memref<128xi32, #tpu.memory_space<vmem>>, %arg12: memref<128x128xf32, #tpu.memory_space<vmem>>, %arg13: memref<128xf32, #tpu.memory_space<vmem>>, %arg14: memref<256xi32, #tpu.memory_space<vmem>>, %arg15: memref<256xi32, #tpu.memory_space<vmem>>, %arg16: memref<256x128xf32, #tpu.memory_space<vmem>>, %arg17: memref<256xf32, #tpu.memory_space<vmem>>, %arg18: memref<!tpu.dma_semaphore, #tpu.memory_space<semaphore_mem>>, %arg19: memref<!tpu.dma_semaphore, #tpu.memory_space<semaphore_mem>>, %arg20: memref<!tpu.dma_semaphore, #tpu.memory_space<semaphore_mem>>, %arg21: memref<!tpu.dma_semaphore, #tpu.memory_space<semaphore_mem>>) attributes {dimension_semantics = [#tpu.dimension_semantics<core_parallel>, #tpu.dimension_semantics<subcore_parallel>], iteration_bounds = array<i64: 2, 16>, scalar_prefetch = 0 : i64, scratch_operands = 12 : i64, tpu.core_type = #tpu.core_type<sc_vector_subcore>, window_params = [{transform_indices = #map}, {transform_indices = #map1}, {transform_indices = #map1}, {transform_indices = #map1}, {transform_indices = #map}, {transform_indices = #map1}, {transform_indices = #map}, {transform_indices = #map1}]} {
    %mul3A = arith.constant 2 : i32
    %mul3A_0 = arith.muli %arg1, %mul3A : i32
    %add3A = arith.addi %mul3A_0, %arg0 : i32
    %mul3A_1 = arith.constant 128 : i32
    %mul3A_2 = arith.muli %add3A, %mul3A_1 : i32
    %mul3A_3 = arith.constant 256 : i32
    %mul3A_4 = arith.muli %add3A, %mul3A_3 : i32
    "tpu.region"() ({
      %run_scoped3A = tpu.sem_alloc : memref<!tpu.dma_semaphore, #tpu.memory_space<semaphore_mem>>
      %dma_start3A_425 = tpu.memref_slice %arg4[%mul3A_2] : memref<4096xi32, #tpu.memory_space<hbm>> -> memref<128xi32, #tpu.memory_space<hbm>>
      %dma_start3A_426 = tpu.memref_slice %arg4[%mul3A_2] : memref<4096xi32, #tpu.memory_space<hbm>> -> memref<128xi32, #tpu.memory_space<hbm>>
      tpu.enqueue_dma source(%dma_start3A_426 : memref<128xi32, #tpu.memory_space<hbm>>) target(%arg10 : memref<128xi32, #tpu.memory_space<vmem>>) target_semaphore(%run_scoped3A : memref<!tpu.dma_semaphore, #tpu.memory_space<semaphore_mem>>)
      %dma_wait3A_427 = tpu.memref_slice %arg4[%mul3A_2] : memref<4096xi32, #tpu.memory_space<hbm>> -> memref<128xi32, #tpu.memory_space<hbm>>
      %dma_wait3A_428 = tpu.memref_slice %arg4[%mul3A_2] : memref<4096xi32, #tpu.memory_space<hbm>> -> memref<128xi32, #tpu.memory_space<hbm>>
      tpu.wait_dma2 semaphore(%run_scoped3A : memref<!tpu.dma_semaphore, #tpu.memory_space<semaphore_mem>>) src(%dma_wait3A_428 : memref<128xi32, #tpu.memory_space<hbm>>) dst(%arg10 : memref<128xi32, #tpu.memory_space<vmem>>)
      tpu.yield
    }) : () -> ()
    "tpu.region"() ({
      %run_scoped3A = tpu.sem_alloc : memref<!tpu.dma_semaphore, #tpu.memory_space<semaphore_mem>>
      %dma_start3A_425 = tpu.memref_slice %arg5[%mul3A_4] : memref<8192xi32, #tpu.memory_space<hbm>> -> memref<256xi32, #tpu.memory_space<hbm>>
      %dma_start3A_426 = tpu.memref_slice %arg5[%mul3A_4] : memref<8192xi32, #tpu.memory_space<hbm>> -> memref<256xi32, #tpu.memory_space<hbm>>
      tpu.enqueue_dma source(%dma_start3A_426 : memref<256xi32, #tpu.memory_space<hbm>>) target(%arg14 : memref<256xi32, #tpu.memory_space<vmem>>) target_semaphore(%run_scoped3A : memref<!tpu.dma_semaphore, #tpu.memory_space<semaphore_mem>>)
      %dma_wait3A_427 = tpu.memref_slice %arg5[%mul3A_4] : memref<8192xi32, #tpu.memory_space<hbm>> -> memref<256xi32, #tpu.memory_space<hbm>>
      %dma_wait3A_428 = tpu.memref_slice %arg5[%mul3A_4] : memref<8192xi32, #tpu.memory_space<hbm>> -> memref<256xi32, #tpu.memory_space<hbm>>
      tpu.wait_dma2 semaphore(%run_scoped3A : memref<!tpu.dma_semaphore, #tpu.memory_space<semaphore_mem>>) src(%dma_wait3A_428 : memref<256xi32, #tpu.memory_space<hbm>>) dst(%arg14 : memref<256xi32, #tpu.memory_space<vmem>>)
      tpu.yield
    }) : () -> ()
    %get3A = arith.constant 0 : index
    %get3A_5 = tpu.vector_load %arg10[%get3A] {strides = array<i32>} : memref<128xi32, #tpu.memory_space<vmem>>, vector<16xi32>,
    %get3A_6 = vector.shape_cast %get3A_5 : vector<16xi32> to vector<16xi32>
    %shift_right_logical3A = arith.constant 14 : i32
    %shift_right_logical3A_7 = vector.broadcast %shift_right_logical3A : i32 to vector<16xi32>
    %shift_right_logical3A_8 = arith.shrui %get3A_6, %shift_right_logical3A_7 : vector<16xi32>
    %shift_left3A = arith.constant 12 : i32
    %shift_left3A_9 = vector.broadcast %shift_left3A : i32 to vector<16xi32>
    %shift_left3A_10 = arith.shli %shift_right_logical3A_8, %shift_left3A_9 : vector<16xi32>
    %and3A = arith.constant 4095 : i32
    %and3A_11 = vector.broadcast %and3A : i32 to vector<16xi32>
    %and3A_12 = arith.andi %get3A_6, %and3A_11 : vector<16xi32>
    %or3A = arith.ori %shift_left3A_10, %and3A_12 : vector<16xi32>
    %swap3A = arith.constant 0 : index
    %swap3A_13 = tpu.vector_load %arg11[%swap3A] {strides = array<i32>} : memref<128xi32, #tpu.memory_space<vmem>>, vector<16xi32>,
    %swap3A_14 = vector.shape_cast %swap3A_13 : vector<16xi32> to vector<16xi32>
    %swap3A_15 = vector.shape_cast %or3A : vector<16xi32> to vector<16xi32>
    tpu.vector_store %arg11[%swap3A], %swap3A_15 {strides = array<i32>} : memref<128xi32, #tpu.memory_space<vmem>>, vector<16xi32>,
    %get3A_16 = arith.constant 16 : index
    %get3A_17 = tpu.vector_load %arg10[%get3A_16] {strides = array<i32>} : memref<128xi32, #tpu.memory_space<vmem>>, vector<16xi32>,
    %get3A_18 = vector.shape_cast %get3A_17 : vector<16xi32> to vector<16xi32>
    %shift_right_logical3A_19 = arith.constant 14 : i32
    %shift_right_logical3A_20 = vector.broadcast %shift_right_logical3A_19 : i32 to vector<16xi32>
    %shift_right_logical3A_21 = arith.shrui %get3A_18, %shift_right_logical3A_20 : vector<16xi32>
    %shift_left3A_22 = arith.constant 12 : i32
    %shift_left3A_23 = vector.broadcast %shift_left3A_22 : i32 to vector<16xi32>
    %shift_left3A_24 = arith.shli %shift_right_logical3A_21, %shift_left3A_23 : vector<16xi32>
    %and3A_25 = arith.constant 4095 : i32
    %and3A_26 = vector.broadcast %and3A_25 : i32 to vector<16xi32>
    %and3A_27 = arith.andi %get3A_18, %and3A_26 : vector<16xi32>
    %or3A_28 = arith.ori %shift_left3A_24, %and3A_27 : vector<16xi32>
    %swap3A_29 = arith.constant 16 : index
    %swap3A_30 = tpu.vector_load %arg11[%swap3A_29] {strides = array<i32>} : memref<128xi32, #tpu.memory_space<vmem>>, vector<16xi32>,
    %swap3A_31 = vector.shape_cast %swap3A_30 : vector<16xi32> to vector<16xi32>
    %swap3A_32 = vector.shape_cast %or3A_28 : vector<16xi32> to vector<16xi32>
    tpu.vector_store %arg11[%swap3A_29], %swap3A_32 {strides = array<i32>} : memref<128xi32, #tpu.memory_space<vmem>>, vector<16xi32>,
    %get3A_33 = arith.constant 32 : index
    %get3A_34 = tpu.vector_load %arg10[%get3A_33] {strides = array<i32>} : memref<128xi32, #tpu.memory_space<vmem>>, vector<16xi32>,
    %get3A_35 = vector.shape_cast %get3A_34 : vector<16xi32> to vector<16xi32>
    %shift_right_logical3A_36 = arith.constant 14 : i32
    %shift_right_logical3A_37 = vector.broadcast %shift_right_logical3A_36 : i32 to vector<16xi32>
    %shift_right_logical3A_38 = arith.shrui %get3A_35, %shift_right_logical3A_37 : vector<16xi32>
    %shift_left3A_39 = arith.constant 12 : i32
    %shift_left3A_40 = vector.broadcast %shift_left3A_39 : i32 to vector<16xi32>
    %shift_left3A_41 = arith.shli %shift_right_logical3A_38, %shift_left3A_40 : vector<16xi32>
    %and3A_42 = arith.constant 4095 : i32
    %and3A_43 = vector.broadcast %and3A_42 : i32 to vector<16xi32>
    %and3A_44 = arith.andi %get3A_35, %and3A_43 : vector<16xi32>
    %or3A_45 = arith.ori %shift_left3A_41, %and3A_44 : vector<16xi32>
    %swap3A_46 = arith.constant 32 : index
    %swap3A_47 = tpu.vector_load %arg11[%swap3A_46] {strides = array<i32>} : memref<128xi32, #tpu.memory_space<vmem>>, vector<16xi32>,
    %swap3A_48 = vector.shape_cast %swap3A_47 : vector<16xi32> to vector<16xi32>
    %swap3A_49 = vector.shape_cast %or3A_45 : vector<16xi32> to vector<16xi32>
    tpu.vector_store %arg11[%swap3A_46], %swap3A_49 {strides = array<i32>} : memref<128xi32, #tpu.memory_space<vmem>>, vector<16xi32>,
    %get3A_50 = arith.constant 48 : index
    %get3A_51 = tpu.vector_load %arg10[%get3A_50] {strides = array<i32>} : memref<128xi32, #tpu.memory_space<vmem>>, vector<16xi32>,
    %get3A_52 = vector.shape_cast %get3A_51 : vector<16xi32> to vector<16xi32>
    %shift_right_logical3A_53 = arith.constant 14 : i32
    %shift_right_logical3A_54 = vector.broadcast %shift_right_logical3A_53 : i32 to vector<16xi32>
    %shift_right_logical3A_55 = arith.shrui %get3A_52, %shift_right_logical3A_54 : vector<16xi32>
    %shift_left3A_56 = arith.constant 12 : i32
    %shift_left3A_57 = vector.broadcast %shift_left3A_56 : i32 to vector<16xi32>
    %shift_left3A_58 = arith.shli %shift_right_logical3A_55, %shift_left3A_57 : vector<16xi32>
    %and3A_59 = arith.constant 4095 : i32
    %and3A_60 = vector.broadcast %and3A_59 : i32 to vector<16xi32>
    %and3A_61 = arith.andi %get3A_52, %and3A_60 : vector<16xi32>
    %or3A_62 = arith.ori %shift_left3A_58, %and3A_61 : vector<16xi32>
    %swap3A_63 = arith.constant 48 : index
    %swap3A_64 = tpu.vector_load %arg11[%swap3A_63] {strides = array<i32>} : memref<128xi32, #tpu.memory_space<vmem>>, vector<16xi32>,
    %swap3A_65 = vector.shape_cast %swap3A_64 : vector<16xi32> to vector<16xi32>
    %swap3A_66 = vector.shape_cast %or3A_62 : vector<16xi32> to vector<16xi32>
    tpu.vector_store %arg11[%swap3A_63], %swap3A_66 {strides = array<i32>} : memref<128xi32, #tpu.memory_space<vmem>>, vector<16xi32>,
    %get3A_67 = arith.constant 64 : index
    %get3A_68 = tpu.vector_load %arg10[%get3A_67] {strides = array<i32>} : memref<128xi32, #tpu.memory_space<vmem>>, vector<16xi32>,
    %get3A_69 = vector.shape_cast %get3A_68 : vector<16xi32> to vector<16xi32>
    %shift_right_logical3A_70 = arith.constant 14 : i32
    %shift_right_logical3A_71 = vector.broadcast %shift_right_logical3A_70 : i32 to vector<16xi32>
    %shift_right_logical3A_72 = arith.shrui %get3A_69, %shift_right_logical3A_71 : vector<16xi32>
    %shift_left3A_73 = arith.constant 12 : i32
    %shift_left3A_74 = vector.broadcast %shift_left3A_73 : i32 to vector<16xi32>
    %shift_left3A_75 = arith.shli %shift_right_logical3A_72, %shift_left3A_74 : vector<16xi32>
    %and3A_76 = arith.constant 4095 : i32
    %and3A_77 = vector.broadcast %and3A_76 : i32 to vector<16xi32>
    %and3A_78 = arith.andi %get3A_69, %and3A_77 : vector<16xi32>
    %or3A_79 = arith.ori %shift_left3A_75, %and3A_78 : vector<16xi32>
    %swap3A_80 = arith.constant 64 : index
    %swap3A_81 = tpu.vector_load %arg11[%swap3A_80] {strides = array<i32>} : memref<128xi32, #tpu.memory_space<vmem>>, vector<16xi32>,
    %swap3A_82 = vector.shape_cast %swap3A_81 : vector<16xi32> to vector<16xi32>
    %swap3A_83 = vector.shape_cast %or3A_79 : vector<16xi32> to vector<16xi32>
    tpu.vector_store %arg11[%swap3A_80], %swap3A_83 {strides = array<i32>} : memref<128xi32, #tpu.memory_space<vmem>>, vector<16xi32>,
    %get3A_84 = arith.constant 80 : index
    %get3A_85 = tpu.vector_load %arg10[%get3A_84] {strides = array<i32>} : memref<128xi32, #tpu.memory_space<vmem>>, vector<16xi32>,
    %get3A_86 = vector.shape_cast %get3A_85 : vector<16xi32> to vector<16xi32>
    %shift_right_logical3A_87 = arith.constant 14 : i32
    %shift_right_logical3A_88 = vector.broadcast %shift_right_logical3A_87 : i32 to vector<16xi32>
    %shift_right_logical3A_89 = arith.shrui %get3A_86, %shift_right_logical3A_88 : vector<16xi32>
    %shift_left3A_90 = arith.constant 12 : i32
    %shift_left3A_91 = vector.broadcast %shift_left3A_90 : i32 to vector<16xi32>
    %shift_left3A_92 = arith.shli %shift_right_logical3A_89, %shift_left3A_91 : vector<16xi32>
    %and3A_93 = arith.constant 4095 : i32
    %and3A_94 = vector.broadcast %and3A_93 : i32 to vector<16xi32>
    %and3A_95 = arith.andi %get3A_86, %and3A_94 : vector<16xi32>
    %or3A_96 = arith.ori %shift_left3A_92, %and3A_95 : vector<16xi32>
    %swap3A_97 = arith.constant 80 : index
    %swap3A_98 = tpu.vector_load %arg11[%swap3A_97] {strides = array<i32>} : memref<128xi32, #tpu.memory_space<vmem>>, vector<16xi32>,
    %swap3A_99 = vector.shape_cast %swap3A_98 : vector<16xi32> to vector<16xi32>
    %swap3A_100 = vector.shape_cast %or3A_96 : vector<16xi32> to vector<16xi32>
    tpu.vector_store %arg11[%swap3A_97], %swap3A_100 {strides = array<i32>} : memref<128xi32, #tpu.memory_space<vmem>>, vector<16xi32>,
    %get3A_101 = arith.constant 96 : index
    %get3A_102 = tpu.vector_load %arg10[%get3A_101] {strides = array<i32>} : memref<128xi32, #tpu.memory_space<vmem>>, vector<16xi32>,
    %get3A_103 = vector.shape_cast %get3A_102 : vector<16xi32> to vector<16xi32>
    %shift_right_logical3A_104 = arith.constant 14 : i32
    %shift_right_logical3A_105 = vector.broadcast %shift_right_logical3A_104 : i32 to vector<16xi32>
    %shift_right_logical3A_106 = arith.shrui %get3A_103, %shift_right_logical3A_105 : vector<16xi32>
    %shift_left3A_107 = arith.constant 12 : i32
    %shift_left3A_108 = vector.broadcast %shift_left3A_107 : i32 to vector<16xi32>
    %shift_left3A_109 = arith.shli %shift_right_logical3A_106, %shift_left3A_108 : vector<16xi32>
    %and3A_110 = arith.constant 4095 : i32
    %and3A_111 = vector.broadcast %and3A_110 : i32 to vector<16xi32>
    %and3A_112 = arith.andi %get3A_103, %and3A_111 : vector<16xi32>
    %or3A_113 = arith.ori %shift_left3A_109, %and3A_112 : vector<16xi32>
    %swap3A_114 = arith.constant 96 : index
    %swap3A_115 = tpu.vector_load %arg11[%swap3A_114] {strides = array<i32>} : memref<128xi32, #tpu.memory_space<vmem>>, vector<16xi32>,
    %swap3A_116 = vector.shape_cast %swap3A_115 : vector<16xi32> to vector<16xi32>
    %swap3A_117 = vector.shape_cast %or3A_113 : vector<16xi32> to vector<16xi32>
    tpu.vector_store %arg11[%swap3A_114], %swap3A_117 {strides = array<i32>} : memref<128xi32, #tpu.memory_space<vmem>>, vector<16xi32>,
    %get3A_118 = arith.constant 112 : index
    %get3A_119 = tpu.vector_load %arg10[%get3A_118] {strides = array<i32>} : memref<128xi32, #tpu.memory_space<vmem>>, vector<16xi32>,
    %get3A_120 = vector.shape_cast %get3A_119 : vector<16xi32> to vector<16xi32>
    %shift_right_logical3A_121 = arith.constant 14 : i32
    %shift_right_logical3A_122 = vector.broadcast %shift_right_logical3A_121 : i32 to vector<16xi32>
    %shift_right_logical3A_123 = arith.shrui %get3A_120, %shift_right_logical3A_122 : vector<16xi32>
    %shift_left3A_124 = arith.constant 12 : i32
    %shift_left3A_125 = vector.broadcast %shift_left3A_124 : i32 to vector<16xi32>
    %shift_left3A_126 = arith.shli %shift_right_logical3A_123, %shift_left3A_125 : vector<16xi32>
    %and3A_127 = arith.constant 4095 : i32
    %and3A_128 = vector.broadcast %and3A_127 : i32 to vector<16xi32>
    %and3A_129 = arith.andi %get3A_120, %and3A_128 : vector<16xi32>
    %or3A_130 = arith.ori %shift_left3A_126, %and3A_129 : vector<16xi32>
    %swap3A_131 = arith.constant 112 : index
    %swap3A_132 = tpu.vector_load %arg11[%swap3A_131] {strides = array<i32>} : memref<128xi32, #tpu.memory_space<vmem>>, vector<16xi32>,
    %swap3A_133 = vector.shape_cast %swap3A_132 : vector<16xi32> to vector<16xi32>
    %swap3A_134 = vector.shape_cast %or3A_130 : vector<16xi32> to vector<16xi32>
    tpu.vector_store %arg11[%swap3A_131], %swap3A_134 {strides = array<i32>} : memref<128xi32, #tpu.memory_space<vmem>>, vector<16xi32>,
    %get3A_135 = arith.constant 0 : index
    %get3A_136 = tpu.vector_load %arg14[%get3A_135] {strides = array<i32>} : memref<256xi32, #tpu.memory_space<vmem>>, vector<16xi32>,
    %get3A_137 = vector.shape_cast %get3A_136 : vector<16xi32> to vector<16xi32>
    %shift_right_logical3A_138 = arith.constant 14 : i32
    %shift_right_logical3A_139 = vector.broadcast %shift_right_logical3A_138 : i32 to vector<16xi32>
    %shift_right_logical3A_140 = arith.shrui %get3A_137, %shift_right_logical3A_139 : vector<16xi32>
    %shift_left3A_141 = arith.constant 12 : i32
    %shift_left3A_142 = vector.broadcast %shift_left3A_141 : i32 to vector<16xi32>
    %shift_left3A_143 = arith.shli %shift_right_logical3A_140, %shift_left3A_142 : vector<16xi32>
    %and3A_144 = arith.constant 4095 : i32
    %and3A_145 = vector.broadcast %and3A_144 : i32 to vector<16xi32>
    %and3A_146 = arith.andi %get3A_137, %and3A_145 : vector<16xi32>
    %or3A_147 = arith.ori %shift_left3A_143, %and3A_146 : vector<16xi32>
    %swap3A_148 = arith.constant 0 : index
    %swap3A_149 = tpu.vector_load %arg15[%swap3A_148] {strides = array<i32>} : memref<256xi32, #tpu.memory_space<vmem>>, vector<16xi32>,
    %swap3A_150 = vector.shape_cast %swap3A_149 : vector<16xi32> to vector<16xi32>
    %swap3A_151 = vector.shape_cast %or3A_147 : vector<16xi32> to vector<16xi32>
    tpu.vector_store %arg15[%swap3A_148], %swap3A_151 {strides = array<i32>} : memref<256xi32, #tpu.memory_space<vmem>>, vector<16xi32>,
    %get3A_152 = arith.constant 16 : index
    %get3A_153 = tpu.vector_load %arg14[%get3A_152] {strides = array<i32>} : memref<256xi32, #tpu.memory_space<vmem>>, vector<16xi32>,
    %get3A_154 = vector.shape_cast %get3A_153 : vector<16xi32> to vector<16xi32>
    %shift_right_logical3A_155 = arith.constant 14 : i32
    %shift_right_logical3A_156 = vector.broadcast %shift_right_logical3A_155 : i32 to vector<16xi32>
    %shift_right_logical3A_157 = arith.shrui %get3A_154, %shift_right_logical3A_156 : vector<16xi32>
    %shift_left3A_158 = arith.constant 12 : i32
    %shift_left3A_159 = vector.broadcast %shift_left3A_158 : i32 to vector<16xi32>
    %shift_left3A_160 = arith.shli %shift_right_logical3A_157, %shift_left3A_159 : vector<16xi32>
    %and3A_161 = arith.constant 4095 : i32
    %and3A_162 = vector.broadcast %and3A_161 : i32 to vector<16xi32>
    %and3A_163 = arith.andi %get3A_154, %and3A_162 : vector<16xi32>
    %or3A_164 = arith.ori %shift_left3A_160, %and3A_163 : vector<16xi32>
    %swap3A_165 = arith.constant 16 : index
    %swap3A_166 = tpu.vector_load %arg15[%swap3A_165] {strides = array<i32>} : memref<256xi32, #tpu.memory_space<vmem>>, vector<16xi32>,
    %swap3A_167 = vector.shape_cast %swap3A_166 : vector<16xi32> to vector<16xi32>
    %swap3A_168 = vector.shape_cast %or3A_164 : vector<16xi32> to vector<16xi32>
    tpu.vector_store %arg15[%swap3A_165], %swap3A_168 {strides = array<i32>} : memref<256xi32, #tpu.memory_space<vmem>>, vector<16xi32>,
    %get3A_169 = arith.constant 32 : index
    %get3A_170 = tpu.vector_load %arg14[%get3A_169] {strides = array<i32>} : memref<256xi32, #tpu.memory_space<vmem>>, vector<16xi32>,
    %get3A_171 = vector.shape_cast %get3A_170 : vector<16xi32> to vector<16xi32>
    %shift_right_logical3A_172 = arith.constant 14 : i32
    %shift_right_logical3A_173 = vector.broadcast %shift_right_logical3A_172 : i32 to vector<16xi32>
    %shift_right_logical3A_174 = arith.shrui %get3A_171, %shift_right_logical3A_173 : vector<16xi32>
    %shift_left3A_175 = arith.constant 12 : i32
    %shift_left3A_176 = vector.broadcast %shift_left3A_175 : i32 to vector<16xi32>
    %shift_left3A_177 = arith.shli %shift_right_logical3A_174, %shift_left3A_176 : vector<16xi32>
    %and3A_178 = arith.constant 4095 : i32
    %and3A_179 = vector.broadcast %and3A_178 : i32 to vector<16xi32>
    %and3A_180 = arith.andi %get3A_171, %and3A_179 : vector<16xi32>
    %or3A_181 = arith.ori %shift_left3A_177, %and3A_180 : vector<16xi32>
    %swap3A_182 = arith.constant 32 : index
    %swap3A_183 = tpu.vector_load %arg15[%swap3A_182] {strides = array<i32>} : memref<256xi32, #tpu.memory_space<vmem>>, vector<16xi32>,
    %swap3A_184 = vector.shape_cast %swap3A_183 : vector<16xi32> to vector<16xi32>
    %swap3A_185 = vector.shape_cast %or3A_181 : vector<16xi32> to vector<16xi32>
    tpu.vector_store %arg15[%swap3A_182], %swap3A_185 {strides = array<i32>} : memref<256xi32, #tpu.memory_space<vmem>>, vector<16xi32>,
    %get3A_186 = arith.constant 48 : index
    %get3A_187 = tpu.vector_load %arg14[%get3A_186] {strides = array<i32>} : memref<256xi32, #tpu.memory_space<vmem>>, vector<16xi32>,
    %get3A_188 = vector.shape_cast %get3A_187 : vector<16xi32> to vector<16xi32>
    %shift_right_logical3A_189 = arith.constant 14 : i32
    %shift_right_logical3A_190 = vector.broadcast %shift_right_logical3A_189 : i32 to vector<16xi32>
    %shift_right_logical3A_191 = arith.shrui %get3A_188, %shift_right_logical3A_190 : vector<16xi32>
    %shift_left3A_192 = arith.constant 12 : i32
    %shift_left3A_193 = vector.broadcast %shift_left3A_192 : i32 to vector<16xi32>
    %shift_left3A_194 = arith.shli %shift_right_logical3A_191, %shift_left3A_193 : vector<16xi32>
    %and3A_195 = arith.constant 4095 : i32
    %and3A_196 = vector.broadcast %and3A_195 : i32 to vector<16xi32>
    %and3A_197 = arith.andi %get3A_188, %and3A_196 : vector<16xi32>
    %or3A_198 = arith.ori %shift_left3A_194, %and3A_197 : vector<16xi32>
    %swap3A_199 = arith.constant 48 : index
    %swap3A_200 = tpu.vector_load %arg15[%swap3A_199] {strides = array<i32>} : memref<256xi32, #tpu.memory_space<vmem>>, vector<16xi32>,
    %swap3A_201 = vector.shape_cast %swap3A_200 : vector<16xi32> to vector<16xi32>
    %swap3A_202 = vector.shape_cast %or3A_198 : vector<16xi32> to vector<16xi32>
    tpu.vector_store %arg15[%swap3A_199], %swap3A_202 {strides = array<i32>} : memref<256xi32, #tpu.memory_space<vmem>>, vector<16xi32>,
    %get3A_203 = arith.constant 64 : index
    %get3A_204 = tpu.vector_load %arg14[%get3A_203] {strides = array<i32>} : memref<256xi32, #tpu.memory_space<vmem>>, vector<16xi32>,
    %get3A_205 = vector.shape_cast %get3A_204 : vector<16xi32> to vector<16xi32>
    %shift_right_logical3A_206 = arith.constant 14 : i32
    %shift_right_logical3A_207 = vector.broadcast %shift_right_logical3A_206 : i32 to vector<16xi32>
    %shift_right_logical3A_208 = arith.shrui %get3A_205, %shift_right_logical3A_207 : vector<16xi32>
    %shift_left3A_209 = arith.constant 12 : i32
    %shift_left3A_210 = vector.broadcast %shift_left3A_209 : i32 to vector<16xi32>
    %shift_left3A_211 = arith.shli %shift_right_logical3A_208, %shift_left3A_210 : vector<16xi32>
    %and3A_212 = arith.constant 4095 : i32
    %and3A_213 = vector.broadcast %and3A_212 : i32 to vector<16xi32>
    %and3A_214 = arith.andi %get3A_205, %and3A_213 : vector<16xi32>
    %or3A_215 = arith.ori %shift_left3A_211, %and3A_214 : vector<16xi32>
    %swap3A_216 = arith.constant 64 : index
    %swap3A_217 = tpu.vector_load %arg15[%swap3A_216] {strides = array<i32>} : memref<256xi32, #tpu.memory_space<vmem>>, vector<16xi32>,
    %swap3A_218 = vector.shape_cast %swap3A_217 : vector<16xi32> to vector<16xi32>
    %swap3A_219 = vector.shape_cast %or3A_215 : vector<16xi32> to vector<16xi32>
    tpu.vector_store %arg15[%swap3A_216], %swap3A_219 {strides = array<i32>} : memref<256xi32, #tpu.memory_space<vmem>>, vector<16xi32>,
    %get3A_220 = arith.constant 80 : index
    %get3A_221 = tpu.vector_load %arg14[%get3A_220] {strides = array<i32>} : memref<256xi32, #tpu.memory_space<vmem>>, vector<16xi32>,
    %get3A_222 = vector.shape_cast %get3A_221 : vector<16xi32> to vector<16xi32>
    %shift_right_logical3A_223 = arith.constant 14 : i32
    %shift_right_logical3A_224 = vector.broadcast %shift_right_logical3A_223 : i32 to vector<16xi32>
    %shift_right_logical3A_225 = arith.shrui %get3A_222, %shift_right_logical3A_224 : vector<16xi32>
    %shift_left3A_226 = arith.constant 12 : i32
    %shift_left3A_227 = vector.broadcast %shift_left3A_226 : i32 to vector<16xi32>
    %shift_left3A_228 = arith.shli %shift_right_logical3A_225, %shift_left3A_227 : vector<16xi32>
    %and3A_229 = arith.constant 4095 : i32
    %and3A_230 = vector.broadcast %and3A_229 : i32 to vector<16xi32>
    %and3A_231 = arith.andi %get3A_222, %and3A_230 : vector<16xi32>
    %or3A_232 = arith.ori %shift_left3A_228, %and3A_231 : vector<16xi32>
    %swap3A_233 = arith.constant 80 : index
    %swap3A_234 = tpu.vector_load %arg15[%swap3A_233] {strides = array<i32>} : memref<256xi32, #tpu.memory_space<vmem>>, vector<16xi32>,
    %swap3A_235 = vector.shape_cast %swap3A_234 : vector<16xi32> to vector<16xi32>
    %swap3A_236 = vector.shape_cast %or3A_232 : vector<16xi32> to vector<16xi32>
    tpu.vector_store %arg15[%swap3A_233], %swap3A_236 {strides = array<i32>} : memref<256xi32, #tpu.memory_space<vmem>>, vector<16xi32>,
    %get3A_237 = arith.constant 96 : index
    %get3A_238 = tpu.vector_load %arg14[%get3A_237] {strides = array<i32>} : memref<256xi32, #tpu.memory_space<vmem>>, vector<16xi32>,
    %get3A_239 = vector.shape_cast %get3A_238 : vector<16xi32> to vector<16xi32>
    %shift_right_logical3A_240 = arith.constant 14 : i32
    %shift_right_logical3A_241 = vector.broadcast %shift_right_logical3A_240 : i32 to vector<16xi32>
    %shift_right_logical3A_242 = arith.shrui %get3A_239, %shift_right_logical3A_241 : vector<16xi32>
    %shift_left3A_243 = arith.constant 12 : i32
    %shift_left3A_244 = vector.broadcast %shift_left3A_243 : i32 to vector<16xi32>
    %shift_left3A_245 = arith.shli %shift_right_logical3A_242, %shift_left3A_244 : vector<16xi32>
    %and3A_246 = arith.constant 4095 : i32
    %and3A_247 = vector.broadcast %and3A_246 : i32 to vector<16xi32>
    %and3A_248 = arith.andi %get3A_239, %and3A_247 : vector<16xi32>
    %or3A_249 = arith.ori %shift_left3A_245, %and3A_248 : vector<16xi32>
    %swap3A_250 = arith.constant 96 : index
    %swap3A_251 = tpu.vector_load %arg15[%swap3A_250] {strides = array<i32>} : memref<256xi32, #tpu.memory_space<vmem>>, vector<16xi32>,
    %swap3A_252 = vector.shape_cast %swap3A_251 : vector<16xi32> to vector<16xi32>
    %swap3A_253 = vector.shape_cast %or3A_249 : vector<16xi32> to vector<16xi32>
    tpu.vector_store %arg15[%swap3A_250], %swap3A_253 {strides = array<i32>} : memref<256xi32, #tpu.memory_space<vmem>>, vector<16xi32>,
    %get3A_254 = arith.constant 112 : index
    %get3A_255 = tpu.vector_load %arg14[%get3A_254] {strides = array<i32>} : memref<256xi32, #tpu.memory_space<vmem>>, vector<16xi32>,
    %get3A_256 = vector.shape_cast %get3A_255 : vector<16xi32> to vector<16xi32>
    %shift_right_logical3A_257 = arith.constant 14 : i32
    %shift_right_logical3A_258 = vector.broadcast %shift_right_logical3A_257 : i32 to vector<16xi32>
    %shift_right_logical3A_259 = arith.shrui %get3A_256, %shift_right_logical3A_258 : vector<16xi32>
    %shift_left3A_260 = arith.constant 12 : i32
    %shift_left3A_261 = vector.broadcast %shift_left3A_260 : i32 to vector<16xi32>
    %shift_left3A_262 = arith.shli %shift_right_logical3A_259, %shift_left3A_261 : vector<16xi32>
    %and3A_263 = arith.constant 4095 : i32
    %and3A_264 = vector.broadcast %and3A_263 : i32 to vector<16xi32>
    %and3A_265 = arith.andi %get3A_256, %and3A_264 : vector<16xi32>
    %or3A_266 = arith.ori %shift_left3A_262, %and3A_265 : vector<16xi32>
    %swap3A_267 = arith.constant 112 : index
    %swap3A_268 = tpu.vector_load %arg15[%swap3A_267] {strides = array<i32>} : memref<256xi32, #tpu.memory_space<vmem>>, vector<16xi32>,
    %swap3A_269 = vector.shape_cast %swap3A_268 : vector<16xi32> to vector<16xi32>
    %swap3A_270 = vector.shape_cast %or3A_266 : vector<16xi32> to vector<16xi32>
    tpu.vector_store %arg15[%swap3A_267], %swap3A_270 {strides = array<i32>} : memref<256xi32, #tpu.memory_space<vmem>>, vector<16xi32>,
    %get3A_271 = arith.constant 128 : index
    %get3A_272 = tpu.vector_load %arg14[%get3A_271] {strides = array<i32>} : memref<256xi32, #tpu.memory_space<vmem>>, vector<16xi32>,
    %get3A_273 = vector.shape_cast %get3A_272 : vector<16xi32> to vector<16xi32>
    %shift_right_logical3A_274 = arith.constant 14 : i32
    %shift_right_logical3A_275 = vector.broadcast %shift_right_logical3A_274 : i32 to vector<16xi32>
    %shift_right_logical3A_276 = arith.shrui %get3A_273, %shift_right_logical3A_275 : vector<16xi32>
    %shift_left3A_277 = arith.constant 12 : i32
    %shift_left3A_278 = vector.broadcast %shift_left3A_277 : i32 to vector<16xi32>
    %shift_left3A_279 = arith.shli %shift_right_logical3A_276, %shift_left3A_278 : vector<16xi32>
    %and3A_280 = arith.constant 4095 : i32
    %and3A_281 = vector.broadcast %and3A_280 : i32 to vector<16xi32>
    %and3A_282 = arith.andi %get3A_273, %and3A_281 : vector<16xi32>
    %or3A_283 = arith.ori %shift_left3A_279, %and3A_282 : vector<16xi32>
    %swap3A_284 = arith.constant 128 : index
    %swap3A_285 = tpu.vector_load %arg15[%swap3A_284] {strides = array<i32>} : memref<256xi32, #tpu.memory_space<vmem>>, vector<16xi32>,
    %swap3A_286 = vector.shape_cast %swap3A_285 : vector<16xi32> to vector<16xi32>
    %swap3A_287 = vector.shape_cast %or3A_283 : vector<16xi32> to vector<16xi32>
    tpu.vector_store %arg15[%swap3A_284], %swap3A_287 {strides = array<i32>} : memref<256xi32, #tpu.memory_space<vmem>>, vector<16xi32>,
    %get3A_288 = arith.constant 144 : index
    %get3A_289 = tpu.vector_load %arg14[%get3A_288] {strides = array<i32>} : memref<256xi32, #tpu.memory_space<vmem>>, vector<16xi32>,
    %get3A_290 = vector.shape_cast %get3A_289 : vector<16xi32> to vector<16xi32>
    %shift_right_logical3A_291 = arith.constant 14 : i32
    %shift_right_logical3A_292 = vector.broadcast %shift_right_logical3A_291 : i32 to vector<16xi32>
    %shift_right_logical3A_293 = arith.shrui %get3A_290, %shift_right_logical3A_292 : vector<16xi32>
    %shift_left3A_294 = arith.constant 12 : i32
    %shift_left3A_295 = vector.broadcast %shift_left3A_294 : i32 to vector<16xi32>
    %shift_left3A_296 = arith.shli %shift_right_logical3A_293, %shift_left3A_295 : vector<16xi32>
    %and3A_297 = arith.constant 4095 : i32
    %and3A_298 = vector.broadcast %and3A_297 : i32 to vector<16xi32>
    %and3A_299 = arith.andi %get3A_290, %and3A_298 : vector<16xi32>
    %or3A_300 = arith.ori %shift_left3A_296, %and3A_299 : vector<16xi32>
    %swap3A_301 = arith.constant 144 : index
    %swap3A_302 = tpu.vector_load %arg15[%swap3A_301] {strides = array<i32>} : memref<256xi32, #tpu.memory_space<vmem>>, vector<16xi32>,
    %swap3A_303 = vector.shape_cast %swap3A_302 : vector<16xi32> to vector<16xi32>
    %swap3A_304 = vector.shape_cast %or3A_300 : vector<16xi32> to vector<16xi32>
    tpu.vector_store %arg15[%swap3A_301], %swap3A_304 {strides = array<i32>} : memref<256xi32, #tpu.memory_space<vmem>>, vector<16xi32>,
    %get3A_305 = arith.constant 160 : index
    %get3A_306 = tpu.vector_load %arg14[%get3A_305] {strides = array<i32>} : memref<256xi32, #tpu.memory_space<vmem>>, vector<16xi32>,
    %get3A_307 = vector.shape_cast %get3A_306 : vector<16xi32> to vector<16xi32>
    %shift_right_logical3A_308 = arith.constant 14 : i32
    %shift_right_logical3A_309 = vector.broadcast %shift_right_logical3A_308 : i32 to vector<16xi32>
    %shift_right_logical3A_310 = arith.shrui %get3A_307, %shift_right_logical3A_309 : vector<16xi32>
    %shift_left3A_311 = arith.constant 12 : i32
    %shift_left3A_312 = vector.broadcast %shift_left3A_311 : i32 to vector<16xi32>
    %shift_left3A_313 = arith.shli %shift_right_logical3A_310, %shift_left3A_312 : vector<16xi32>
    %and3A_314 = arith.constant 4095 : i32
    %and3A_315 = vector.broadcast %and3A_314 : i32 to vector<16xi32>
    %and3A_316 = arith.andi %get3A_307, %and3A_315 : vector<16xi32>
    %or3A_317 = arith.ori %shift_left3A_313, %and3A_316 : vector<16xi32>
    %swap3A_318 = arith.constant 160 : index
    %swap3A_319 = tpu.vector_load %arg15[%swap3A_318] {strides = array<i32>} : memref<256xi32, #tpu.memory_space<vmem>>, vector<16xi32>,
    %swap3A_320 = vector.shape_cast %swap3A_319 : vector<16xi32> to vector<16xi32>
    %swap3A_321 = vector.shape_cast %or3A_317 : vector<16xi32> to vector<16xi32>
    tpu.vector_store %arg15[%swap3A_318], %swap3A_321 {strides = array<i32>} : memref<256xi32, #tpu.memory_space<vmem>>, vector<16xi32>,
    %get3A_322 = arith.constant 176 : index
    %get3A_323 = tpu.vector_load %arg14[%get3A_322] {strides = array<i32>} : memref<256xi32, #tpu.memory_space<vmem>>, vector<16xi32>,
    %get3A_324 = vector.shape_cast %get3A_323 : vector<16xi32> to vector<16xi32>
    %shift_right_logical3A_325 = arith.constant 14 : i32
    %shift_right_logical3A_326 = vector.broadcast %shift_right_logical3A_325 : i32 to vector<16xi32>
    %shift_right_logical3A_327 = arith.shrui %get3A_324, %shift_right_logical3A_326 : vector<16xi32>
    %shift_left3A_328 = arith.constant 12 : i32
    %shift_left3A_329 = vector.broadcast %shift_left3A_328 : i32 to vector<16xi32>
    %shift_left3A_330 = arith.shli %shift_right_logical3A_327, %shift_left3A_329 : vector<16xi32>
    %and3A_331 = arith.constant 4095 : i32
    %and3A_332 = vector.broadcast %and3A_331 : i32 to vector<16xi32>
    %and3A_333 = arith.andi %get3A_324, %and3A_332 : vector<16xi32>
    %or3A_334 = arith.ori %shift_left3A_330, %and3A_333 : vector<16xi32>
    %swap3A_335 = arith.constant 176 : index
    %swap3A_336 = tpu.vector_load %arg15[%swap3A_335] {strides = array<i32>} : memref<256xi32, #tpu.memory_space<vmem>>, vector<16xi32>,
    %swap3A_337 = vector.shape_cast %swap3A_336 : vector<16xi32> to vector<16xi32>
    %swap3A_338 = vector.shape_cast %or3A_334 : vector<16xi32> to vector<16xi32>
    tpu.vector_store %arg15[%swap3A_335], %swap3A_338 {strides = array<i32>} : memref<256xi32, #tpu.memory_space<vmem>>, vector<16xi32>,
    %get3A_339 = arith.constant 192 : index
    %get3A_340 = tpu.vector_load %arg14[%get3A_339] {strides = array<i32>} : memref<256xi32, #tpu.memory_space<vmem>>, vector<16xi32>,
    %get3A_341 = vector.shape_cast %get3A_340 : vector<16xi32> to vector<16xi32>
    %shift_right_logical3A_342 = arith.constant 14 : i32
    %shift_right_logical3A_343 = vector.broadcast %shift_right_logical3A_342 : i32 to vector<16xi32>
    %shift_right_logical3A_344 = arith.shrui %get3A_341, %shift_right_logical3A_343 : vector<16xi32>
    %shift_left3A_345 = arith.constant 12 : i32
    %shift_left3A_346 = vector.broadcast %shift_left3A_345 : i32 to vector<16xi32>
    %shift_left3A_347 = arith.shli %shift_right_logical3A_344, %shift_left3A_346 : vector<16xi32>
    %and3A_348 = arith.constant 4095 : i32
    %and3A_349 = vector.broadcast %and3A_348 : i32 to vector<16xi32>
    %and3A_350 = arith.andi %get3A_341, %and3A_349 : vector<16xi32>
    %or3A_351 = arith.ori %shift_left3A_347, %and3A_350 : vector<16xi32>
    %swap3A_352 = arith.constant 192 : index
    %swap3A_353 = tpu.vector_load %arg15[%swap3A_352] {strides = array<i32>} : memref<256xi32, #tpu.memory_space<vmem>>, vector<16xi32>,
    %swap3A_354 = vector.shape_cast %swap3A_353 : vector<16xi32> to vector<16xi32>
    %swap3A_355 = vector.shape_cast %or3A_351 : vector<16xi32> to vector<16xi32>
    tpu.vector_store %arg15[%swap3A_352], %swap3A_355 {strides = array<i32>} : memref<256xi32, #tpu.memory_space<vmem>>, vector<16xi32>,
    %get3A_356 = arith.constant 208 : index
    %get3A_357 = tpu.vector_load %arg14[%get3A_356] {strides = array<i32>} : memref<256xi32, #tpu.memory_space<vmem>>, vector<16xi32>,
    %get3A_358 = vector.shape_cast %get3A_357 : vector<16xi32> to vector<16xi32>
    %shift_right_logical3A_359 = arith.constant 14 : i32
    %shift_right_logical3A_360 = vector.broadcast %shift_right_logical3A_359 : i32 to vector<16xi32>
    %shift_right_logical3A_361 = arith.shrui %get3A_358, %shift_right_logical3A_360 : vector<16xi32>
    %shift_left3A_362 = arith.constant 12 : i32
    %shift_left3A_363 = vector.broadcast %shift_left3A_362 : i32 to vector<16xi32>
    %shift_left3A_364 = arith.shli %shift_right_logical3A_361, %shift_left3A_363 : vector<16xi32>
    %and3A_365 = arith.constant 4095 : i32
    %and3A_366 = vector.broadcast %and3A_365 : i32 to vector<16xi32>
    %and3A_367 = arith.andi %get3A_358, %and3A_366 : vector<16xi32>
    %or3A_368 = arith.ori %shift_left3A_364, %and3A_367 : vector<16xi32>
    %swap3A_369 = arith.constant 208 : index
    %swap3A_370 = tpu.vector_load %arg15[%swap3A_369] {strides = array<i32>} : memref<256xi32, #tpu.memory_space<vmem>>, vector<16xi32>,
    %swap3A_371 = vector.shape_cast %swap3A_370 : vector<16xi32> to vector<16xi32>
    %swap3A_372 = vector.shape_cast %or3A_368 : vector<16xi32> to vector<16xi32>
    tpu.vector_store %arg15[%swap3A_369], %swap3A_372 {strides = array<i32>} : memref<256xi32, #tpu.memory_space<vmem>>, vector<16xi32>,
    %get3A_373 = arith.constant 224 : index
    %get3A_374 = tpu.vector_load %arg14[%get3A_373] {strides = array<i32>} : memref<256xi32, #tpu.memory_space<vmem>>, vector<16xi32>,
    %get3A_375 = vector.shape_cast %get3A_374 : vector<16xi32> to vector<16xi32>
    %shift_right_logical3A_376 = arith.constant 14 : i32
    %shift_right_logical3A_377 = vector.broadcast %shift_right_logical3A_376 : i32 to vector<16xi32>
    %shift_right_logical3A_378 = arith.shrui %get3A_375, %shift_right_logical3A_377 : vector<16xi32>
    %shift_left3A_379 = arith.constant 12 : i32
    %shift_left3A_380 = vector.broadcast %shift_left3A_379 : i32 to vector<16xi32>
    %shift_left3A_381 = arith.shli %shift_right_logical3A_378, %shift_left3A_380 : vector<16xi32>
    %and3A_382 = arith.constant 4095 : i32
    %and3A_383 = vector.broadcast %and3A_382 : i32 to vector<16xi32>
    %and3A_384 = arith.andi %get3A_375, %and3A_383 : vector<16xi32>
    %or3A_385 = arith.ori %shift_left3A_381, %and3A_384 : vector<16xi32>
    %swap3A_386 = arith.constant 224 : index
    %swap3A_387 = tpu.vector_load %arg15[%swap3A_386] {strides = array<i32>} : memref<256xi32, #tpu.memory_space<vmem>>, vector<16xi32>,
    %swap3A_388 = vector.shape_cast %swap3A_387 : vector<16xi32> to vector<16xi32>
    %swap3A_389 = vector.shape_cast %or3A_385 : vector<16xi32> to vector<16xi32>
    tpu.vector_store %arg15[%swap3A_386], %swap3A_389 {strides = array<i32>} : memref<256xi32, #tpu.memory_space<vmem>>, vector<16xi32>,
    %get3A_390 = arith.constant 240 : index
    %get3A_391 = tpu.vector_load %arg14[%get3A_390] {strides = array<i32>} : memref<256xi32, #tpu.memory_space<vmem>>, vector<16xi32>,
    %get3A_392 = vector.shape_cast %get3A_391 : vector<16xi32> to vector<16xi32>
    %shift_right_logical3A_393 = arith.constant 14 : i32
    %shift_right_logical3A_394 = vector.broadcast %shift_right_logical3A_393 : i32 to vector<16xi32>
    %shift_right_logical3A_395 = arith.shrui %get3A_392, %shift_right_logical3A_394 : vector<16xi32>
    %shift_left3A_396 = arith.constant 12 : i32
    %shift_left3A_397 = vector.broadcast %shift_left3A_396 : i32 to vector<16xi32>
    %shift_left3A_398 = arith.shli %shift_right_logical3A_395, %shift_left3A_397 : vector<16xi32>
    %and3A_399 = arith.constant 4095 : i32
    %and3A_400 = vector.broadcast %and3A_399 : i32 to vector<16xi32>
    %and3A_401 = arith.andi %get3A_392, %and3A_400 : vector<16xi32>
    %or3A_402 = arith.ori %shift_left3A_398, %and3A_401 : vector<16xi32>
    %swap3A_403 = arith.constant 240 : index
    %swap3A_404 = tpu.vector_load %arg15[%swap3A_403] {strides = array<i32>} : memref<256xi32, #tpu.memory_space<vmem>>, vector<16xi32>,
    %swap3A_405 = vector.shape_cast %swap3A_404 : vector<16xi32> to vector<16xi32>
    %swap3A_406 = vector.shape_cast %or3A_402 : vector<16xi32> to vector<16xi32>
    tpu.vector_store %arg15[%swap3A_403], %swap3A_406 {strides = array<i32>} : memref<256xi32, #tpu.memory_space<vmem>>, vector<16xi32>,
    %dma_start3A = arith.constant 0 : i32
    %dma_start3A_407 = arith.constant 0 : i32
    %dma_start3A_408 = tpu.memref_slice %arg2[%dma_start3A, %dma_start3A_407] : memref<253952x128xf32, #tpu.memory_space<hbm>> -> memref<253952x128xf32, #tpu.memory_space<hbm>>
    tpu.enqueue_indirect_dma source(%dma_start3A_408 : memref<253952x128xf32, #tpu.memory_space<hbm>>) target(%arg12 : memref<128x128xf32, #tpu.memory_space<vmem>>) offsets(%arg11 : memref<128xi32, #tpu.memory_space<vmem>>) semaphore(%arg18 : memref<!tpu.dma_semaphore, #tpu.memory_space<semaphore_mem>>)
    %dma_start3A_409 = arith.constant 0 : i32
    %dma_start3A_410 = arith.constant 0 : i32
    %dma_start3A_411 = tpu.memref_slice %arg2[%dma_start3A_409, %dma_start3A_410] : memref<253952x128xf32, #tpu.memory_space<hbm>> -> memref<253952x128xf32, #tpu.memory_space<hbm>>
    tpu.enqueue_indirect_dma source(%dma_start3A_411 : memref<253952x128xf32, #tpu.memory_space<hbm>>) target(%arg16 : memref<256x128xf32, #tpu.memory_space<vmem>>) offsets(%arg15 : memref<256xi32, #tpu.memory_space<vmem>>) semaphore(%arg19 : memref<!tpu.dma_semaphore, #tpu.memory_space<semaphore_mem>>)
    %dma_start3A_412 = arith.constant 0 : i32
    %dma_start3A_413 = tpu.memref_slice %arg3[%dma_start3A_412] : memref<1000000xf32, #tpu.memory_space<hbm>> -> memref<1000000xf32, #tpu.memory_space<hbm>>
    tpu.enqueue_indirect_dma source(%dma_start3A_413 : memref<1000000xf32, #tpu.memory_space<hbm>>) target(%arg13 : memref<128xf32, #tpu.memory_space<vmem>>) offsets(%arg10 : memref<128xi32, #tpu.memory_space<vmem>>) semaphore(%arg20 : memref<!tpu.dma_semaphore, #tpu.memory_space<semaphore_mem>>)
    %dma_start3A_414 = arith.constant 0 : i32
    %dma_start3A_415 = tpu.memref_slice %arg3[%dma_start3A_414] : memref<1000000xf32, #tpu.memory_space<hbm>> -> memref<1000000xf32, #tpu.memory_space<hbm>>
    tpu.enqueue_indirect_dma source(%dma_start3A_415 : memref<1000000xf32, #tpu.memory_space<hbm>>) target(%arg17 : memref<256xf32, #tpu.memory_space<vmem>>) offsets(%arg14 : memref<256xi32, #tpu.memory_space<vmem>>) semaphore(%arg21 : memref<!tpu.dma_semaphore, #tpu.memory_space<semaphore_mem>>)
    %dma_wait3A = arith.constant 0 : i32
    %dma_wait3A_416 = arith.constant 0 : i32
    %dma_wait3A_417 = tpu.memref_slice %arg2[%dma_wait3A, %dma_wait3A_416] : memref<253952x128xf32, #tpu.memory_space<hbm>> -> memref<253952x128xf32, #tpu.memory_space<hbm>>
    tpu.wait_indirect_dma semaphore(%arg18 : memref<!tpu.dma_semaphore, #tpu.memory_space<semaphore_mem>>) src(%dma_wait3A_417 : memref<253952x128xf32, #tpu.memory_space<hbm>>) dst(%arg12 : memref<128x128xf32, #tpu.memory_space<vmem>>)
    %dma_wait3A_418 = arith.constant 0 : i32
    %dma_wait3A_419 = arith.constant 0 : i32
    %dma_wait3A_420 = tpu.memref_slice %arg2[%dma_wait3A_418, %dma_wait3A_419] : memref<253952x128xf32, #tpu.memory_space<hbm>> -> memref<253952x128xf32, #tpu.memory_space<hbm>>
    tpu.wait_indirect_dma semaphore(%arg19 : memref<!tpu.dma_semaphore, #tpu.memory_space<semaphore_mem>>) src(%dma_wait3A_420 : memref<253952x128xf32, #tpu.memory_space<hbm>>) dst(%arg16 : memref<256x128xf32, #tpu.memory_space<vmem>>)
    %dma_wait3A_421 = arith.constant 0 : i32
    %dma_wait3A_422 = tpu.memref_slice %arg3[%dma_wait3A_421] : memref<1000000xf32, #tpu.memory_space<hbm>> -> memref<1000000xf32, #tpu.memory_space<hbm>>
    tpu.wait_indirect_dma semaphore(%arg20 : memref<!tpu.dma_semaphore, #tpu.memory_space<semaphore_mem>>) src(%dma_wait3A_422 : memref<1000000xf32, #tpu.memory_space<hbm>>) dst(%arg13 : memref<128xf32, #tpu.memory_space<vmem>>)
    %dma_wait3A_423 = arith.constant 0 : i32
    %dma_wait3A_424 = tpu.memref_slice %arg3[%dma_wait3A_423] : memref<1000000xf32, #tpu.memory_space<hbm>> -> memref<1000000xf32, #tpu.memory_space<hbm>>
    tpu.wait_indirect_dma semaphore(%arg21 : memref<!tpu.dma_semaphore, #tpu.memory_space<semaphore_mem>>) src(%dma_wait3A_424 : memref<1000000xf32, #tpu.memory_space<hbm>>) dst(%arg17 : memref<256xf32, #tpu.memory_space<vmem>>)
    "tpu.region"() ({
      %run_scoped3A = tpu.sem_alloc : memref<!tpu.dma_semaphore, #tpu.memory_space<semaphore_mem>>
      %dma_start3A_425 = arith.constant 0 : i32
      %dma_start3A_426 = tpu.memref_slice %arg6[%mul3A_2, %dma_start3A_425] : memref<4096x128xf32, #tpu.memory_space<hbm>> -> memref<128x128xf32, #tpu.memory_space<hbm>>
      %dma_start3A_427 = arith.constant 0 : i32
      %dma_start3A_428 = tpu.memref_slice %arg6[%mul3A_2, %dma_start3A_427] : memref<4096x128xf32, #tpu.memory_space<hbm>> -> memref<128x128xf32, #tpu.memory_space<hbm>>
      tpu.enqueue_dma source(%arg12 : memref<128x128xf32, #tpu.memory_space<vmem>>) target(%dma_start3A_428 : memref<128x128xf32, #tpu.memory_space<hbm>>) target_semaphore(%run_scoped3A : memref<!tpu.dma_semaphore, #tpu.memory_space<semaphore_mem>>)
      %dma_wait3A_429 = arith.constant 0 : i32
      %dma_wait3A_430 = tpu.memref_slice %arg6[%mul3A_2, %dma_wait3A_429] : memref<4096x128xf32, #tpu.memory_space<hbm>> -> memref<128x128xf32, #tpu.memory_space<hbm>>
      %dma_wait3A_431 = arith.constant 0 : i32
      %dma_wait3A_432 = tpu.memref_slice %arg6[%mul3A_2, %dma_wait3A_431] : memref<4096x128xf32, #tpu.memory_space<hbm>> -> memref<128x128xf32, #tpu.memory_space<hbm>>
      tpu.wait_dma2 semaphore(%run_scoped3A : memref<!tpu.dma_semaphore, #tpu.memory_space<semaphore_mem>>) src(%arg12 : memref<128x128xf32, #tpu.memory_space<vmem>>) dst(%dma_wait3A_432 : memref<128x128xf32, #tpu.memory_space<hbm>>)
      tpu.yield
    }) : () -> ()
    "tpu.region"() ({
      %run_scoped3A = tpu.sem_alloc : memref<!tpu.dma_semaphore, #tpu.memory_space<semaphore_mem>>
      %dma_start3A_425 = tpu.memref_slice %arg7[%mul3A_2] : memref<4096xf32, #tpu.memory_space<hbm>> -> memref<128xf32, #tpu.memory_space<hbm>>
      %dma_start3A_426 = tpu.memref_slice %arg7[%mul3A_2] : memref<4096xf32, #tpu.memory_space<hbm>> -> memref<128xf32, #tpu.memory_space<hbm>>
      tpu.enqueue_dma source(%arg13 : memref<128xf32, #tpu.memory_space<vmem>>) target(%dma_start3A_426 : memref<128xf32, #tpu.memory_space<hbm>>) target_semaphore(%run_scoped3A : memref<!tpu.dma_semaphore, #tpu.memory_space<semaphore_mem>>)
      %dma_wait3A_427 = tpu.memref_slice %arg7[%mul3A_2] : memref<4096xf32, #tpu.memory_space<hbm>> -> memref<128xf32, #tpu.memory_space<hbm>>
      %dma_wait3A_428 = tpu.memref_slice %arg7[%mul3A_2] : memref<4096xf32, #tpu.memory_space<hbm>> -> memref<128xf32, #tpu.memory_space<hbm>>
      tpu.wait_dma2 semaphore(%run_scoped3A : memref<!tpu.dma_semaphore, #tpu.memory_space<semaphore_mem>>) src(%arg13 : memref<128xf32, #tpu.memory_space<vmem>>) dst(%dma_wait3A_428 : memref<128xf32, #tpu.memory_space<hbm>>)
      tpu.yield
    }) : () -> ()
    "tpu.region"() ({
      %run_scoped3A = tpu.sem_alloc : memref<!tpu.dma_semaphore, #tpu.memory_space<semaphore_mem>>
      %dma_start3A_425 = arith.constant 0 : i32
      %dma_start3A_426 = tpu.memref_slice %arg8[%mul3A_4, %dma_start3A_425] : memref<8192x128xf32, #tpu.memory_space<hbm>> -> memref<256x128xf32, #tpu.memory_space<hbm>>
      %dma_start3A_427 = arith.constant 0 : i32
      %dma_start3A_428 = tpu.memref_slice %arg8[%mul3A_4, %dma_start3A_427] : memref<8192x128xf32, #tpu.memory_space<hbm>> -> memref<256x128xf32, #tpu.memory_space<hbm>>
      tpu.enqueue_dma source(%arg16 : memref<256x128xf32, #tpu.memory_space<vmem>>) target(%dma_start3A_428 : memref<256x128xf32, #tpu.memory_space<hbm>>) target_semaphore(%run_scoped3A : memref<!tpu.dma_semaphore, #tpu.memory_space<semaphore_mem>>)
      %dma_wait3A_429 = arith.constant 0 : i32
      %dma_wait3A_430 = tpu.memref_slice %arg8[%mul3A_4, %dma_wait3A_429] : memref<8192x128xf32, #tpu.memory_space<hbm>> -> memref<256x128xf32, #tpu.memory_space<hbm>>
      %dma_wait3A_431 = arith.constant 0 : i32
      %dma_wait3A_432 = tpu.memref_slice %arg8[%mul3A_4, %dma_wait3A_431] : memref<8192x128xf32, #tpu.memory_space<hbm>> -> memref<256x128xf32, #tpu.memory_space<hbm>>
      tpu.wait_dma2 semaphore(%run_scoped3A : memref<!tpu.dma_semaphore, #tpu.memory_space<semaphore_mem>>) src(%arg16 : memref<256x128xf32, #tpu.memory_space<vmem>>) dst(%dma_wait3A_432 : memref<256x128xf32, #tpu.memory_space<hbm>>)
      tpu.yield
    }) : () -> ()
    "tpu.region"() ({
      %run_scoped3A = tpu.sem_alloc : memref<!tpu.dma_semaphore, #tpu.memory_space<semaphore_mem>>
      %dma_start3A_425 = tpu.memref_slice %arg9[%mul3A_4] : memref<8192xf32, #tpu.memory_space<hbm>> -> memref<256xf32, #tpu.memory_space<hbm>>
      %dma_start3A_426 = tpu.memref_slice %arg9[%mul3A_4] : memref<8192xf32, #tpu.memory_space<hbm>> -> memref<256xf32, #tpu.memory_space<hbm>>
      tpu.enqueue_dma source(%arg17 : memref<256xf32, #tpu.memory_space<vmem>>) target(%dma_start3A_426 : memref<256xf32, #tpu.memory_space<hbm>>) target_semaphore(%run_scoped3A : memref<!tpu.dma_semaphore, #tpu.memory_space<semaphore_mem>>)
      %dma_wait3A_427 = tpu.memref_slice %arg9[%mul3A_4] : memref<8192xf32, #tpu.memory_space<hbm>> -> memref<256xf32, #tpu.memory_space<hbm>>
      %dma_wait3A_428 = tpu.memref_slice %arg9[%mul3A_4] : memref<8192xf32, #tpu.memory_space<hbm>> -> memref<256xf32, #tpu.memory_space<hbm>>
      tpu.wait_dma2 semaphore(%run_scoped3A : memref<!tpu.dma_semaphore, #tpu.memory_space<semaphore_mem>>) src(%arg17 : memref<256xf32, #tpu.memory_space<vmem>>) dst(%dma_wait3A_428 : memref<256xf32, #tpu.memory_space<hbm>>)
      tpu.yield
    }) : () -> ()
    return
  }
}

module attributes {stable_mosaic.version = 14 : i64} {
  func.func @_transpose_body(%arg0: i32, %arg1: memref<64x16384xf32, #tpu.memory_space<vmem>>, %arg2: memref<4096x128xf32, #tpu.memory_space<vmem>>) attributes {dimension_semantics = [#tpu.dimension_semantics<arbitrary>], iteration_bounds = array<i64: 62>, scalar_prefetch = 0 : i64, scratch_operands = 0 : i64, tpu.core_type = #tpu.core_type<tc>, window_params = [{transform_indices = @transform_0, window_bounds = array<i64: 64, 16384>}, {transform_indices = @transform_1, window_bounds = array<i64: 4096, 128>}]} {
    %get3A = arith.constant 0 : index
    %get3A_0 = arith.constant 0 : index
    %get3A_1 = vector.load %arg1[%get3A, %get3A_0] : memref<64x16384xf32, #tpu.memory_space<vmem>>, vector<64x16384xf32>
    %transpose3A = tpu.transpose %get3A_1, [1, 0] : vector<64x16384xf32> -> vector<16384x64xf32>
    %slice3A = vector.extract_strided_slice %transpose3A {offsets = [0, 0], sizes = [4096, 64], strides = [1, 1]} : vector<16384x64xf32> to vector<4096x64xf32>
    %slice3A_2 = vector.extract_strided_slice %transpose3A {offsets = [4096, 0], sizes = [4096, 64], strides = [1, 1]} : vector<16384x64xf32> to vector<4096x64xf32>
    %convert_element_type3A = arith.truncf %slice3A : vector<4096x64xf32> to vector<4096x64xbf16>
    %convert_element_type3A_3 = arith.extf %convert_element_type3A : vector<4096x64xbf16> to vector<4096x64xf32>
    %bitcast_convert_type3A = tpu.bitcast %convert_element_type3A_3 : vector<4096x64xf32> -> vector<4096x64xi32>
    %convert_element_type3A_4 = arith.truncf %slice3A_2 : vector<4096x64xf32> to vector<4096x64xbf16>
    %convert_element_type3A_5 = arith.extf %convert_element_type3A_4 : vector<4096x64xbf16> to vector<4096x64xf32>
    %bitcast_convert_type3A_6 = tpu.bitcast %convert_element_type3A_5 : vector<4096x64xf32> -> vector<4096x64xi32>
    %shift_right_logical3A = arith.constant 16 : i32
    %shift_right_logical3A_7 = vector.broadcast %shift_right_logical3A : i32 to vector<4096x64xi32>
    %shift_right_logical3A_8 = arith.shrui %bitcast_convert_type3A_6, %shift_right_logical3A_7 : vector<4096x64xi32>
    %or3A = arith.ori %bitcast_convert_type3A, %shift_right_logical3A_8 : vector<4096x64xi32>
    %bitcast_convert_type3A_9 = tpu.bitcast %or3A : vector<4096x64xi32> -> vector<4096x64xf32>
    %swap3A = arith.constant 0 : index
    %swap3A_10 = arith.constant 0 : index
    %swap3A_11 = vector.load %arg2[%swap3A, %swap3A_10] : memref<4096x128xf32, #tpu.memory_space<vmem>>, vector<4096x64xf32>
    tpu.vector_store %arg2[%swap3A, %swap3A_10], %bitcast_convert_type3A_9 {strides = array<i32>} : memref<4096x128xf32, #tpu.memory_space<vmem>>, vector<4096x64xf32>,
    %slice3A_12 = vector.extract_strided_slice %transpose3A {offsets = [8192, 0], sizes = [4096, 64], strides = [1, 1]} : vector<16384x64xf32> to vector<4096x64xf32>
    %slice3A_13 = vector.extract_strided_slice %transpose3A {offsets = [12288, 0], sizes = [4096, 64], strides = [1, 1]} : vector<16384x64xf32> to vector<4096x64xf32>
    %convert_element_type3A_14 = arith.truncf %slice3A_12 : vector<4096x64xf32> to vector<4096x64xbf16>
    %convert_element_type3A_15 = arith.extf %convert_element_type3A_14 : vector<4096x64xbf16> to vector<4096x64xf32>
    %bitcast_convert_type3A_16 = tpu.bitcast %convert_element_type3A_15 : vector<4096x64xf32> -> vector<4096x64xi32>
    %convert_element_type3A_17 = arith.truncf %slice3A_13 : vector<4096x64xf32> to vector<4096x64xbf16>
    %convert_element_type3A_18 = arith.extf %convert_element_type3A_17 : vector<4096x64xbf16> to vector<4096x64xf32>
    %bitcast_convert_type3A_19 = tpu.bitcast %convert_element_type3A_18 : vector<4096x64xf32> -> vector<4096x64xi32>
    %shift_right_logical3A_20 = arith.constant 16 : i32
    %shift_right_logical3A_21 = vector.broadcast %shift_right_logical3A_20 : i32 to vector<4096x64xi32>
    %shift_right_logical3A_22 = arith.shrui %bitcast_convert_type3A_19, %shift_right_logical3A_21 : vector<4096x64xi32>
    %or3A_23 = arith.ori %bitcast_convert_type3A_16, %shift_right_logical3A_22 : vector<4096x64xi32>
    %bitcast_convert_type3A_24 = tpu.bitcast %or3A_23 : vector<4096x64xi32> -> vector<4096x64xf32>
    %swap3A_25 = arith.constant 0 : index
    %swap3A_26 = arith.constant 64 : index
    %swap3A_27 = vector.load %arg2[%swap3A_25, %swap3A_26] : memref<4096x128xf32, #tpu.memory_space<vmem>>, vector<4096x64xf32>
    tpu.vector_store %arg2[%swap3A_25, %swap3A_26], %bitcast_convert_type3A_24 {strides = array<i32>} : memref<4096x128xf32, #tpu.memory_space<vmem>>, vector<4096x64xf32>,
    return
  }
  func.func @transform_0(%arg0: i32) -> (i32, i32) {
    %c0_i32 = arith.constant 0 : i32
    %c0_i32_0 = arith.constant 0 : i32
    return %c0_i32, %arg0 : i32, i32
  }
  func.func @transform_1(%arg0: i32) -> (i32, i32) {
    %c0_i32 = arith.constant 0 : i32
    %c0_i32_0 = arith.constant 0 : i32
    return %arg0, %c0_i32 : i32, i32
  }
}

module attributes {stable_mosaic.version = 14 : i64} {
  func.func @_nce_body(%arg0: i32, %arg1: i32, %arg2: memref<512x64xf32, #tpu.memory_space<vmem>>, %arg3: memref<512x128xf32, #tpu.memory_space<vmem>>, %arg4: memref<512x1xf32, #tpu.memory_space<vmem>>, %arg5: memref<512x1xi32, #tpu.memory_space<vmem>>, %arg6: memref<2048x128xf32, #tpu.memory_space<vmem>>, %arg7: memref<1x2048xf32, #tpu.memory_space<vmem>>, %arg8: memref<1x2048xi32, #tpu.memory_space<vmem>>, %arg9: memref<2048x1xi32, #tpu.memory_space<vmem>>, %arg10: memref<512x1xf32, #tpu.memory_space<vmem>>, %arg11: memref<8192x64xbf16, #tpu.memory_space<vmem>>, %arg12: memref<1x8192xf32, #tpu.memory_space<vmem>>, %arg13: memref<512x64xbf16, #tpu.memory_space<vmem>>) attributes {dimension_semantics = [#tpu.dimension_semantics<arbitrary>, #tpu.dimension_semantics<arbitrary>], iteration_bounds = array<i64: 8, 4>, scalar_prefetch = 0 : i64, scratch_operands = 3 : i64, tpu.core_type = #tpu.core_type<tc>, window_params = [{transform_indices = @transform_0, window_bounds = array<i64: 512, 64>}, {transform_indices = @transform_1, window_bounds = array<i64: 512, 128>}, {transform_indices = @transform_2, window_bounds = array<i64: 512, 1>}, {transform_indices = @transform_3, window_bounds = array<i64: 512, 1>}, {transform_indices = @transform_4, window_bounds = array<i64: 2048, 128>}, {transform_indices = @transform_5, window_bounds = array<i64: 1, 2048>}, {transform_indices = @transform_6, window_bounds = array<i64: 1, 2048>}, {transform_indices = @transform_7, window_bounds = array<i64: 2048, 1>}, {transform_indices = @transform_8, window_bounds = array<i64: 512, 1>}]} {
    %eq3A = arith.constant 0 : i32
    %eq3A_0 = arith.cmpi eq, %arg0, %eq3A : i32
    %convert_element_type3A = arith.extui %eq3A_0 : i1 to i32
    %cond3A = arith.constant 0 : i32
    %cond3A_1 = arith.cmpi ne, %convert_element_type3A, %cond3A : i32
    scf.if %cond3A_1 {
      %get3A_44 = arith.constant 0 : index
      %get3A_45 = arith.constant 0 : index
      %get3A_46 = vector.load %arg6[%get3A_44, %get3A_45] : memref<2048x128xf32, #tpu.memory_space<vmem>>, vector<2048x128xf32>
      %get3A_47 = arith.constant 0 : index
      %get3A_48 = arith.constant 0 : index
      %get3A_49 = vector.load %arg9[%get3A_47, %get3A_48] : memref<2048x1xi32, #tpu.memory_space<vmem>>, vector<2048x1xi32>
      %shift_right_logical3A = arith.constant 13 : i32
      %shift_right_logical3A_50 = vector.broadcast %shift_right_logical3A : i32 to vector<2048x1xi32>
      %shift_right_logical3A_51 = arith.shrui %get3A_49, %shift_right_logical3A_50 : vector<2048x1xi32>
      %and3A = arith.constant 1 : i32
      %and3A_52 = vector.broadcast %and3A : i32 to vector<2048x1xi32>
      %and3A_53 = arith.andi %shift_right_logical3A_51, %and3A_52 : vector<2048x1xi32>
      %shift_right_logical3A_54 = arith.constant 12 : i32
      %shift_right_logical3A_55 = vector.broadcast %shift_right_logical3A_54 : i32 to vector<2048x1xi32>
      %shift_right_logical3A_56 = arith.shrui %get3A_49, %shift_right_logical3A_55 : vector<2048x1xi32>
      %and3A_57 = arith.constant 1 : i32
      %and3A_58 = vector.broadcast %and3A_57 : i32 to vector<2048x1xi32>
      %and3A_59 = arith.andi %shift_right_logical3A_56, %and3A_58 : vector<2048x1xi32>
      %eq3A_60 = arith.constant 1 : i32
      %eq3A_61 = vector.broadcast %eq3A_60 : i32 to vector<2048x1xi32>
      %eq3A_62 = arith.cmpi eq, %and3A_53, %eq3A_61 : vector<2048x1xi32>
      %slice3A = vector.extract_strided_slice %get3A_46 {offsets = [0, 64], sizes = [2048, 64], strides = [1, 1]} : vector<2048x128xf32> to vector<2048x64xf32>
      %slice3A_63 = vector.extract_strided_slice %get3A_46 {offsets = [0, 0], sizes = [2048, 64], strides = [1, 1]} : vector<2048x128xf32> to vector<2048x64xf32>
      %broadcast_in_dim3A_64 = vector.shape_cast %eq3A_62 : vector<2048x1xi1> to vector<2048x1xi1>
      %broadcast_in_dim3A_65 = vector.broadcast %broadcast_in_dim3A_64 : vector<2048x1xi1> to vector<2048x64xi1>
      %select_n3A = arith.select %broadcast_in_dim3A_65, %slice3A, %slice3A_63 : vector<2048x64xi1>, vector<2048x64xf32>
      %bitcast_convert_type3A = tpu.bitcast %select_n3A : vector<2048x64xf32> -> vector<2048x64xi32>
      %eq3A_66 = arith.constant 1 : i32
      %eq3A_67 = vector.broadcast %eq3A_66 : i32 to vector<2048x1xi32>
      %eq3A_68 = arith.cmpi eq, %and3A_59, %eq3A_67 : vector<2048x1xi32>
      %shift_left3A = arith.constant 16 : i32
      %shift_left3A_69 = vector.broadcast %shift_left3A : i32 to vector<2048x64xi32>
      %shift_left3A_70 = arith.shli %bitcast_convert_type3A, %shift_left3A_69 : vector<2048x64xi32>
      %and3A_71 = arith.constant -65536 : i32
      %and3A_72 = vector.broadcast %and3A_71 : i32 to vector<2048x64xi32>
      %and3A_73 = arith.andi %bitcast_convert_type3A, %and3A_72 : vector<2048x64xi32>
      %broadcast_in_dim3A_74 = vector.shape_cast %eq3A_68 : vector<2048x1xi1> to vector<2048x1xi1>
      %broadcast_in_dim3A_75 = vector.broadcast %broadcast_in_dim3A_74 : vector<2048x1xi1> to vector<2048x64xi1>
      %select_n3A_76 = arith.select %broadcast_in_dim3A_75, %shift_left3A_70, %and3A_73 : vector<2048x64xi1>, vector<2048x64xi32>
      %bitcast_convert_type3A_77 = tpu.bitcast %select_n3A_76 : vector<2048x64xi32> -> vector<2048x64xf32>
      %convert_element_type3A_78 = arith.truncf %bitcast_convert_type3A_77 : vector<2048x64xf32> to vector<2048x64xbf16>
      %mul3A_79 = arith.constant 2048 : i32
      %mul3A_80 = arith.muli %arg1, %mul3A_79 : i32
      %swap3A = arith.index_cast %mul3A_80 : i32 to index
      %swap3A_81 = arith.constant 0 : index
      %swap3A_82 = vector.load %arg11[%swap3A, %swap3A_81] : memref<8192x64xbf16, #tpu.memory_space<vmem>>, vector<2048x64xbf16>
      tpu.vector_store %arg11[%swap3A, %swap3A_81], %convert_element_type3A_78 {strides = array<i32>} : memref<8192x64xbf16, #tpu.memory_space<vmem>>, vector<2048x64xbf16>,
      %get3A_83 = arith.constant 0 : index
      %get3A_84 = arith.constant 0 : index
      %get3A_85 = vector.load %arg8[%get3A_83, %get3A_84] : memref<1x2048xi32, #tpu.memory_space<vmem>>, vector<1x2048xi32>
      %convert_element_type3A_86 = arith.sitofp %get3A_85 : vector<1x2048xi32> to vector<1x2048xf32>
      %add3A_87 = arith.constant 2.000000e+00 : f32
      %add3A_88 = vector.broadcast %add3A_87 : f32 to vector<1x2048xf32>
      %add3A_89 = arith.addf %convert_element_type3A_86, %add3A_88 : vector<1x2048xf32>
      %log3A_90 = math.log %add3A_89 : vector<1x2048xf32>
      %add3A_91 = arith.constant 1.000000e+00 : f32
      %add3A_92 = vector.broadcast %add3A_91 : f32 to vector<1x2048xf32>
      %add3A_93 = arith.addf %convert_element_type3A_86, %add3A_92 : vector<1x2048xf32>
      %log3A_94 = math.log %add3A_93 : vector<1x2048xf32>
      %sub3A = arith.subf %log3A_90, %log3A_94 : vector<1x2048xf32>
      %log3A_95 = arith.constant 0x49742410 : f32
      %log3A_96 = math.log %log3A_95 : f32
      %div3A_97 = vector.broadcast %log3A_96 : f32 to vector<1x2048xf32>
      %div3A_98 = arith.divf %sub3A, %div3A_97 : vector<1x2048xf32>
      %get3A_99 = arith.constant 0 : index
      %get3A_100 = arith.constant 0 : index
      %get3A_101 = vector.load %arg7[%get3A_99, %get3A_100] : memref<1x2048xf32, #tpu.memory_space<vmem>>, vector<1x2048xf32>
      %mul3A_102 = arith.constant 8.192000e+03 : f32
      %mul3A_103 = vector.broadcast %mul3A_102 : f32 to vector<1x2048xf32>
      %mul3A_104 = arith.mulf %mul3A_103, %div3A_98 : vector<1x2048xf32>
      %add3A_105 = arith.constant 9.99999996E-13 : f32
      %add3A_106 = vector.broadcast %add3A_105 : f32 to vector<1x2048xf32>
      %add3A_107 = arith.addf %mul3A_104, %add3A_106 : vector<1x2048xf32>
      %log3A_108 = math.log %add3A_107 : vector<1x2048xf32>
      %sub3A_109 = arith.subf %get3A_101, %log3A_108 : vector<1x2048xf32>
      %mul3A_110 = arith.constant 2048 : i32
      %mul3A_111 = arith.muli %arg1, %mul3A_110 : i32
      %swap3A_112 = arith.constant 0 : index
      %swap3A_113 = arith.index_cast %mul3A_111 : i32 to index
      %swap3A_114 = vector.load %arg12[%swap3A_112, %swap3A_113] : memref<1x8192xf32, #tpu.memory_space<vmem>>, vector<1x2048xf32>
      tpu.vector_store %arg12[%swap3A_112, %swap3A_113], %sub3A_109 {strides = array<i32>} : memref<1x8192xf32, #tpu.memory_space<vmem>>, vector<1x2048xf32>,
    } else {
    }
    %eq3A_2 = arith.constant 0 : i32
    %eq3A_3 = arith.cmpi eq, %arg1, %eq3A_2 : i32
    %convert_element_type3A_4 = arith.extui %eq3A_3 : i1 to i32
    %cond3A_5 = arith.constant 0 : i32
    %cond3A_6 = arith.cmpi ne, %convert_element_type3A_4, %cond3A_5 : i32
    scf.if %cond3A_6 {
      %get3A_44 = arith.constant 0 : index
      %get3A_45 = arith.constant 0 : index
      %get3A_46 = vector.load %arg2[%get3A_44, %get3A_45] : memref<512x64xf32, #tpu.memory_space<vmem>>, vector<512x64xf32>
      %convert_element_type3A_47 = arith.truncf %get3A_46 : vector<512x64xf32> to vector<512x64xbf16>
      %swap3A = arith.constant 0 : index
      %swap3A_48 = arith.constant 0 : index
      %swap3A_49 = vector.load %arg13[%swap3A, %swap3A_48] : memref<512x64xbf16, #tpu.memory_space<vmem>>, vector<512x64xbf16>
      tpu.vector_store %arg13[%swap3A, %swap3A_48], %convert_element_type3A_47 {strides = array<i32>} : memref<512x64xbf16, #tpu.memory_space<vmem>>, vector<512x64xbf16>,
    } else {
    }
    %get3A = arith.constant 0 : index
    %get3A_7 = arith.constant 0 : index
    %get3A_8 = vector.load %arg13[%get3A, %get3A_7] : memref<512x64xbf16, #tpu.memory_space<vmem>>, vector<512x64xbf16>
    %mul3A = arith.constant 2048 : i32
    %mul3A_9 = arith.muli %arg1, %mul3A : i32
    %get3A_10 = arith.index_cast %mul3A_9 : i32 to index
    %get3A_11 = arith.constant 0 : index
    %get3A_12 = vector.load %arg11[%get3A_10, %get3A_11] : memref<8192x64xbf16, #tpu.memory_space<vmem>>, vector<2048x64xbf16>
    %dot_general3A = arith.constant dense<0.000000e+00> : vector<512x2048xf32>
    %dot_general3A_13 = tpu.matmul %get3A_8, %get3A_12, %dot_general3A {dimension_numbers = #tpu.dot_dimension_numbers<[1], [1], [0], [0], [0, 0, 1, 0], [], []>, transpose_lhs_hint = false} : vector<512x64xbf16>, vector<2048x64xbf16>, vector<512x2048xf32> -> vector<512x2048xf32>
    %mul3A_14 = arith.constant 2048 : i32
    %mul3A_15 = arith.muli %arg1, %mul3A_14 : i32
    %get3A_16 = arith.constant 0 : index
    %get3A_17 = arith.index_cast %mul3A_15 : i32 to index
    %get3A_18 = vector.load %arg12[%get3A_16, %get3A_17] : memref<1x8192xf32, #tpu.memory_space<vmem>>, vector<1x2048xf32>
    %add3A = vector.broadcast %get3A_18 : vector<1x2048xf32> to vector<512x2048xf32>
    %add3A_19 = arith.addf %dot_general3A_13, %add3A : vector<512x2048xf32>
    %mul3A_20 = arith.constant 1.44269502 : f32
    %mul3A_21 = vector.broadcast %mul3A_20 : f32 to vector<512x2048xf32>
    %mul3A_22 = arith.mulf %add3A_19, %mul3A_21 : vector<512x2048xf32>
    %exp23A = math.exp2 %mul3A_22 : vector<512x2048xf32>
    %add3A_23 = arith.constant 1.000000e+00 : f32
    %add3A_24 = vector.broadcast %add3A_23 : f32 to vector<512x2048xf32>
    %add3A_25 = arith.addf %add3A_24, %exp23A : vector<512x2048xf32>
    %log3A = math.log %add3A_25 : vector<512x2048xf32>
    %log3A_26 = arith.constant 2.000000e+00 : f32
    %log3A_27 = math.log %log3A_26 : f32
    %div3A = vector.broadcast %log3A_27 : f32 to vector<512x2048xf32>
    %div3A_28 = arith.divf %log3A, %div3A : vector<512x2048xf32>
    %mul3A_29 = arith.constant 0.693147182 : f32
    %mul3A_30 = vector.broadcast %mul3A_29 : f32 to vector<512x2048xf32>
    %mul3A_31 = arith.mulf %mul3A_30, %div3A_28 : vector<512x2048xf32>
    %broadcast_in_dim3A = arith.constant 1.000000e+00 : f32
    %broadcast_in_dim3A_32 = vector.broadcast %broadcast_in_dim3A : f32 to vector<2048x1xf32>
    %dot_general3A_33 = arith.constant dense<0.000000e+00> : vector<512x1xf32>
    %dot_general3A_34 = tpu.matmul %mul3A_31, %broadcast_in_dim3A_32, %dot_general3A_33 {dimension_numbers = #tpu.dot_dimension_numbers<[1], [0], [0], [1], [0, 0, 1, 1], [], []>, transpose_lhs_hint = false} : vector<512x2048xf32>, vector<2048x1xf32>, vector<512x1xf32> -> vector<512x1xf32>
    %eq3A_35 = arith.constant 0 : i32
    %eq3A_36 = arith.cmpi eq, %arg1, %eq3A_35 : i32
    %convert_element_type3A_37 = arith.extui %eq3A_36 : i1 to i32
    %cond3A_38 = arith.constant 0 : i32
    %cond3A_39 = arith.cmpi ne, %convert_element_type3A_37, %cond3A_38 : i32
    scf.if %cond3A_39 {
      %get3A_44 = arith.constant 0 : index
      %get3A_45 = arith.constant 0 : index
      %get3A_46 = vector.load %arg5[%get3A_44, %get3A_45] : memref<512x1xi32, #tpu.memory_space<vmem>>, vector<512x1xi32>
      %convert_element_type3A_47 = arith.sitofp %get3A_46 : vector<512x1xi32> to vector<512x1xf32>
      %add3A_48 = arith.constant 2.000000e+00 : f32
      %add3A_49 = vector.broadcast %add3A_48 : f32 to vector<512x1xf32>
      %add3A_50 = arith.addf %convert_element_type3A_47, %add3A_49 : vector<512x1xf32>
      %log3A_51 = math.log %add3A_50 : vector<512x1xf32>
      %add3A_52 = arith.constant 1.000000e+00 : f32
      %add3A_53 = vector.broadcast %add3A_52 : f32 to vector<512x1xf32>
      %add3A_54 = arith.addf %convert_element_type3A_47, %add3A_53 : vector<512x1xf32>
      %log3A_55 = math.log %add3A_54 : vector<512x1xf32>
      %sub3A = arith.subf %log3A_51, %log3A_55 : vector<512x1xf32>
      %log3A_56 = arith.constant 0x49742410 : f32
      %log3A_57 = math.log %log3A_56 : f32
      %div3A_58 = vector.broadcast %log3A_57 : f32 to vector<512x1xf32>
      %div3A_59 = arith.divf %sub3A, %div3A_58 : vector<512x1xf32>
      %get3A_60 = arith.constant 0 : index
      %get3A_61 = arith.constant 0 : index
      %get3A_62 = vector.load %arg3[%get3A_60, %get3A_61] : memref<512x128xf32, #tpu.memory_space<vmem>>, vector<512x128xf32>
      %get3A_63 = arith.constant 0 : index
      %get3A_64 = arith.constant 0 : index
      %get3A_65 = vector.load %arg5[%get3A_63, %get3A_64] : memref<512x1xi32, #tpu.memory_space<vmem>>, vector<512x1xi32>
      %shift_right_logical3A = arith.constant 13 : i32
      %shift_right_logical3A_66 = vector.broadcast %shift_right_logical3A : i32 to vector<512x1xi32>
      %shift_right_logical3A_67 = arith.shrui %get3A_65, %shift_right_logical3A_66 : vector<512x1xi32>
      %and3A = arith.constant 1 : i32
      %and3A_68 = vector.broadcast %and3A : i32 to vector<512x1xi32>
      %and3A_69 = arith.andi %shift_right_logical3A_67, %and3A_68 : vector<512x1xi32>
      %shift_right_logical3A_70 = arith.constant 12 : i32
      %shift_right_logical3A_71 = vector.broadcast %shift_right_logical3A_70 : i32 to vector<512x1xi32>
      %shift_right_logical3A_72 = arith.shrui %get3A_65, %shift_right_logical3A_71 : vector<512x1xi32>
      %and3A_73 = arith.constant 1 : i32
      %and3A_74 = vector.broadcast %and3A_73 : i32 to vector<512x1xi32>
      %and3A_75 = arith.andi %shift_right_logical3A_72, %and3A_74 : vector<512x1xi32>
      %eq3A_76 = arith.constant 1 : i32
      %eq3A_77 = vector.broadcast %eq3A_76 : i32 to vector<512x1xi32>
      %eq3A_78 = arith.cmpi eq, %and3A_69, %eq3A_77 : vector<512x1xi32>
      %slice3A = vector.extract_strided_slice %get3A_62 {offsets = [0, 64], sizes = [512, 64], strides = [1, 1]} : vector<512x128xf32> to vector<512x64xf32>
      %slice3A_79 = vector.extract_strided_slice %get3A_62 {offsets = [0, 0], sizes = [512, 64], strides = [1, 1]} : vector<512x128xf32> to vector<512x64xf32>
      %broadcast_in_dim3A_80 = vector.shape_cast %eq3A_78 : vector<512x1xi1> to vector<512x1xi1>
      %broadcast_in_dim3A_81 = vector.broadcast %broadcast_in_dim3A_80 : vector<512x1xi1> to vector<512x64xi1>
      %select_n3A = arith.select %broadcast_in_dim3A_81, %slice3A, %slice3A_79 : vector<512x64xi1>, vector<512x64xf32>
      %bitcast_convert_type3A = tpu.bitcast %select_n3A : vector<512x64xf32> -> vector<512x64xi32>
      %eq3A_82 = arith.constant 1 : i32
      %eq3A_83 = vector.broadcast %eq3A_82 : i32 to vector<512x1xi32>
      %eq3A_84 = arith.cmpi eq, %and3A_75, %eq3A_83 : vector<512x1xi32>
      %shift_left3A = arith.constant 16 : i32
      %shift_left3A_85 = vector.broadcast %shift_left3A : i32 to vector<512x64xi32>
      %shift_left3A_86 = arith.shli %bitcast_convert_type3A, %shift_left3A_85 : vector<512x64xi32>
      %and3A_87 = arith.constant -65536 : i32
      %and3A_88 = vector.broadcast %and3A_87 : i32 to vector<512x64xi32>
      %and3A_89 = arith.andi %bitcast_convert_type3A, %and3A_88 : vector<512x64xi32>
      %broadcast_in_dim3A_90 = vector.shape_cast %eq3A_84 : vector<512x1xi1> to vector<512x1xi1>
      %broadcast_in_dim3A_91 = vector.broadcast %broadcast_in_dim3A_90 : vector<512x1xi1> to vector<512x64xi1>
      %select_n3A_92 = arith.select %broadcast_in_dim3A_91, %shift_left3A_86, %and3A_89 : vector<512x64xi1>, vector<512x64xi32>
      %bitcast_convert_type3A_93 = tpu.bitcast %select_n3A_92 : vector<512x64xi32> -> vector<512x64xf32>
      %get3A_94 = arith.constant 0 : index
      %get3A_95 = arith.constant 0 : index
      %get3A_96 = vector.load %arg2[%get3A_94, %get3A_95] : memref<512x64xf32, #tpu.memory_space<vmem>>, vector<512x64xf32>
      %mul3A_97 = arith.mulf %get3A_96, %bitcast_convert_type3A_93 : vector<512x64xf32>
      %reduce_sum3A = arith.constant dense<0.000000e+00> : vector<512xf32>
      %reduce_sum3A_98 = vector.multi_reduction <add>, %mul3A_97, %reduce_sum3A [1] : vector<512x64xf32> to vector<512xf32>
      %broadcast_in_dim3A_99 = vector.shape_cast %reduce_sum3A_98 : vector<512xf32> to vector<512x1xf32>
      %get3A_100 = arith.constant 0 : index
      %get3A_101 = arith.constant 0 : index
      %get3A_102 = vector.load %arg4[%get3A_100, %get3A_101] : memref<512x1xf32, #tpu.memory_space<vmem>>, vector<512x1xf32>
      %add3A_103 = arith.addf %broadcast_in_dim3A_99, %get3A_102 : vector<512x1xf32>
      %mul3A_104 = arith.constant 8.192000e+03 : f32
      %mul3A_105 = vector.broadcast %mul3A_104 : f32 to vector<512x1xf32>
      %mul3A_106 = arith.mulf %mul3A_105, %div3A_59 : vector<512x1xf32>
      %add3A_107 = arith.constant 9.99999996E-13 : f32
      %add3A_108 = vector.broadcast %add3A_107 : f32 to vector<512x1xf32>
      %add3A_109 = arith.addf %mul3A_106, %add3A_108 : vector<512x1xf32>
      %log3A_110 = math.log %add3A_109 : vector<512x1xf32>
      %sub3A_111 = arith.subf %add3A_103, %log3A_110 : vector<512x1xf32>
      %neg3A = arith.constant 0.000000e+00 : f32
      %neg3A_112 = vector.broadcast %neg3A : f32 to vector<512x1xf32>
      %neg3A_113 = arith.subf %neg3A_112, %sub3A_111 : vector<512x1xf32>
      %mul3A_114 = arith.constant 1.44269502 : f32
      %mul3A_115 = vector.broadcast %mul3A_114 : f32 to vector<512x1xf32>
      %mul3A_116 = arith.mulf %neg3A_113, %mul3A_115 : vector<512x1xf32>
      %exp23A_117 = math.exp2 %mul3A_116 : vector<512x1xf32>
      %add3A_118 = arith.constant 1.000000e+00 : f32
      %add3A_119 = vector.broadcast %add3A_118 : f32 to vector<512x1xf32>
      %add3A_120 = arith.addf %add3A_119, %exp23A_117 : vector<512x1xf32>
      %log3A_121 = math.log %add3A_120 : vector<512x1xf32>
      %log3A_122 = arith.constant 2.000000e+00 : f32
      %log3A_123 = math.log %log3A_122 : f32
      %div3A_124 = vector.broadcast %log3A_123 : f32 to vector<512x1xf32>
      %div3A_125 = arith.divf %log3A_121, %div3A_124 : vector<512x1xf32>
      %mul3A_126 = arith.constant 0.693147182 : f32
      %mul3A_127 = vector.broadcast %mul3A_126 : f32 to vector<512x1xf32>
      %mul3A_128 = arith.mulf %mul3A_127, %div3A_125 : vector<512x1xf32>
      %add3A_129 = arith.addf %mul3A_128, %dot_general3A_34 : vector<512x1xf32>
      %swap3A = arith.constant 0 : index
      %swap3A_130 = arith.constant 0 : index
      %swap3A_131 = vector.load %arg10[%swap3A, %swap3A_130] : memref<512x1xf32, #tpu.memory_space<vmem>>, vector<512x1xf32>
      tpu.vector_store %arg10[%swap3A, %swap3A_130], %add3A_129 {strides = array<i32>} : memref<512x1xf32, #tpu.memory_space<vmem>>, vector<512x1xf32>,
    } else {
    }
    %gt3A = arith.constant 0 : i32
    %gt3A_40 = arith.cmpi sgt, %arg1, %gt3A : i32
    %convert_element_type3A_41 = arith.extui %gt3A_40 : i1 to i32
    %cond3A_42 = arith.constant 0 : i32
    %cond3A_43 = arith.cmpi ne, %convert_element_type3A_41, %cond3A_42 : i32
    scf.if %cond3A_43 {
      %get3A_44 = arith.constant 0 : index
      %get3A_45 = arith.constant 0 : index
      %get3A_46 = vector.load %arg10[%get3A_44, %get3A_45] : memref<512x1xf32, #tpu.memory_space<vmem>>, vector<512x1xf32>
      %add3A_47 = arith.addf %get3A_46, %dot_general3A_34 : vector<512x1xf32>
      %swap3A = arith.constant 0 : index
      %swap3A_48 = arith.constant 0 : index
      %swap3A_49 = vector.load %arg10[%swap3A, %swap3A_48] : memref<512x1xf32, #tpu.memory_space<vmem>>, vector<512x1xf32>
      tpu.vector_store %arg10[%swap3A, %swap3A_48], %add3A_47 {strides = array<i32>} : memref<512x1xf32, #tpu.memory_space<vmem>>, vector<512x1xf32>,
    } else {
    }
    return
  }
  func.func @transform_0(%arg0: i32, %arg1: i32) -> (i32, i32) {
    %c0_i32 = arith.constant 0 : i32
    %c0_i32_0 = arith.constant 0 : i32
    return %arg0, %c0_i32 : i32, i32
  }
  func.func @transform_1(%arg0: i32, %arg1: i32) -> (i32, i32) {
    %c0_i32 = arith.constant 0 : i32
    %c0_i32_0 = arith.constant 0 : i32
    return %arg0, %c0_i32 : i32, i32
  }
  func.func @transform_2(%arg0: i32, %arg1: i32) -> (i32, i32) {
    %c0_i32 = arith.constant 0 : i32
    %c0_i32_0 = arith.constant 0 : i32
    return %arg0, %c0_i32 : i32, i32
  }
  func.func @transform_3(%arg0: i32, %arg1: i32) -> (i32, i32) {
    %c0_i32 = arith.constant 0 : i32
    %c0_i32_0 = arith.constant 0 : i32
    return %arg0, %c0_i32 : i32, i32
  }
  func.func @transform_4(%arg0: i32, %arg1: i32) -> (i32, i32) {
    %c0_i32 = arith.constant 0 : i32
    %c0_i32_0 = arith.constant 0 : i32
    return %arg1, %c0_i32 : i32, i32
  }
  func.func @transform_5(%arg0: i32, %arg1: i32) -> (i32, i32) {
    %c0_i32 = arith.constant 0 : i32
    %c0_i32_0 = arith.constant 0 : i32
    return %c0_i32, %arg1 : i32, i32
  }
  func.func @transform_6(%arg0: i32, %arg1: i32) -> (i32, i32) {
    %c0_i32 = arith.constant 0 : i32
    %c0_i32_0 = arith.constant 0 : i32
    return %c0_i32, %arg1 : i32, i32
  }
  func.func @transform_7(%arg0: i32, %arg1: i32) -> (i32, i32) {
    %c0_i32 = arith.constant 0 : i32
    %c0_i32_0 = arith.constant 0 : i32
    return %arg1, %c0_i32 : i32, i32
  }
  func.func @transform_8(%arg0: i32, %arg1: i32) -> (i32, i32) {
    %c0_i32 = arith.constant 0 : i32
    %c0_i32_0 = arith.constant 0 : i32
    return %arg0, %c0_i32 : i32, i32
  }
}

</mosaic_0001>

<sc_bundles>
// kernel: kernel.5.cloned.1.call-start
scs
__scs_entry_jumppad:
0x0: {  	(pc) =	sbr.rel $0x88, $3  }
0x1: {  	(tag) =	ssettag $0x0;
	lr =	simm.s32 $0x1  }
0x2: {  	[smem:$0x3F9C] =	sst lr;
	_ =	strace $0xD0000000  }
0x3: {  	_ = 	snop  }
0x4: {  	_ = 	snop  }
0x5: {  	_ = 	snop  }
0x6: {  	_ = 	snop  }
0x7: {  	_ = 	snop  }
__scs_overlays_trampoline_lowered:
0x8: {  	[smem:$0x3FAB] =	sst s0  }
0x9: {  	[smem:$0x3FAC] =	sst s1  }
0xa: {  	[smem:$0x3FAD] =	sst s2  }
0xb: {  	[smem:$0x3FAE] =	sst s3  }
0xc: {  	[smem:$0x3FAF] =	sst s4  }
0xd: {  	[smem:$0x3FB0] =	sst s5  }
0xe: {  	[smem:$0x3FB1] =	sst s6  }
0xf: {  	[smem:$0x3FB2] =	sst s7  }
0x10: {  	[smem:$0x3FB3] =	sst s8  }
0x11: {  	[smem:$0x3FB4] =	sst s9;
	s0 =	simm.s32 @!p0 $0x0  }
0x12: {  	s1 =	sld [smem:$0x3F9A];
	s0 =	simm.s32 @p0 $0x1  }
0x13: {  	[smem:$0x3FB5] =	sst s0;
	s0 =	simm.s32 @!p1 $0x0  }
0x14: {  	s2 =	sld [smem:$0x3F99];
	s0 =	simm.s32 @p1 $0x1  }
0x15: {  	[smem:$0x3FB6] =	sst s0;
	s0 =	simm.s32 @!p2 $0x0  }
0x16: {  	s3 =	sld [smem:$0x3FDB];
	s0 =	simm.s32 @p2 $0x1  }
0x17: {  	s4 =	simm.s32 $0x1BF5;
	[smem:$0x3FB8] =	sst s0  }
0x18: {  	s0 =	sld [smem:$0x3F9B];
	_ =	swait.ge [sflag:s4], $0x0  }
0x19: {  	s7 =	sld [smem:$0x3F9C]  }
0x1a: {  	s8 =	sadd.s32 $0xFFFFE003, lr  }
0x1b: {  	s9 =	sadd.s32 $0xFFFFFEF7, lr;
	s5 =	simm.s32 $0xFFFFFFFF;
	p2 =	slt.u32 s8, $0xFFFFF086  }
0x1c: {  	p1 =	slt.u32 s9, $0xF7A;
	s5 =	simm.s32 @!p2 $0x0  }
0x1d: {  	s5 =	simm.s32 @p1 $0x1;
	p0 =	seq.s32 s7, s2  }
0x1e: {  	s7 =	smul.u32 @!p0 $0xF7A, s2;
	p2 =	seq.s32 @!p0 s5, $0x0  }
0x1f: {  	s9 =	smul.u32 $0xF7A, s1;
	s8 =	simm.s32 @!p0 $0x1BF5;
	p2 =	por !p2, p0  }
0x20: {  	[sflag:s8] =	ssyncset.s32 @!p0 $0xFFFFF086;
	s6 =	sadd.s32 @!p0 s3, s7;
	s7 =	simm.s32 @!p0 $0x108  }
0x21: {  	s3 =	sadd.s32 s3, s9;
	s6 =	sadd.s32 @!p0 $0x88, s6;
	s7 =	simm.s32 @p2 $0x1082  }
0x22: {  	[simem:s7], [sflag:s8] =	dma.local @!p0 [hbm:s6], $0xF7A  }
0x23: {  	s9 =	sor.u32 $0xD0000000, s2;
	s6 =	simm.s32 $0x108;
	_ =	swait.ge @!p0 [sflag:s8], $0x0  }
0x24: {  	s3 =	sadd.s32 $0x88, s3;
	s6 =	simm.s32 @!p1 $0x1082;
	[sflag:s4] =	ssyncset.s32 $0xFFFFF086  }
0x25: {  	[simem:s6], [sflag:s4] =	dma.local [hbm:s3], $0xF7A  }
0x26: {  	[smem:$0x3F9C] =	sst s1;
	(tag) =	ssettag s2;
	_ =	strace s9  }
0x27: {  	s1 =	sld [smem:$0x3FAC]  }
0x28: {  	s2 =	sld [smem:$0x3FAD]  }
0x29: {  	s4 =	sld [smem:$0x3FAF]  }
0x2a: {  	p0 =	seq.s32 s5, $0x0;
	s5 =	sld [smem:$0x3FB0]  }
0x2b: {  	s6 =	sld [smem:$0x3FB1]  }
0x2c: {  	s7 =	sld [smem:$0x3FB2]  }
0x2d: {  	s3 =	simm.s32 $0x108;
	s8 =	sld [smem:$0x3FB3]  }
0x2e: {  	s3 =	simm.s32 @!p0 $0x1082;
	s9 =	sld [smem:$0x3FB4]  }
0x2f: {  	lr =	sadd.s32 s0, s3;
	s0 =	sld [smem:$0x3FAB]  }
0x30: {  	s3 =	sld [smem:$0x3FAE]  }
0x31: {  	[smem:$0x3FB7] =	sst s10  }
0x32: {  	s10 =	sld [smem:$0x3FB5];
	_ =	sdelay $0x3  }
0x33: {  	p0 =	seq.s32 s10, $0x1;
	s10 =	sld [smem:$0x3FB7];
	_ =	sdelay $0x3  }
0x34: {  	[smem:$0x3FB7] =	sst s10  }
0x35: {  	s10 =	sld [smem:$0x3FB6];
	_ =	sdelay $0x3  }
0x36: {  	p1 =	seq.s32 s10, $0x1;
	s10 =	sld [smem:$0x3FB7];
	_ =	sdelay $0x3  }
0x37: {  	[smem:$0x3FB7] =	sst s10  }
0x38: {  	s10 =	sld [smem:$0x3FB8]  }
0x39: {  	_ = 	snop;
	(pc) =	sbr.ind lr, $3  }
0x3a: {  	_ = 	snop  }
0x3b: {  	_ = 	snop  }
0x3c: {  	p2 =	seq.s32 s10, $0x1;
	s10 =	sld [smem:$0x3FB7]  }
0x3d: {  	_ =	shalt  }
0x3e: {  	_ =	shalt  }
0x3f: {  	_ =	shalt  }
0x40: {  	_ =	shalt  }
0x41: {  	_ =	shalt  }
0x42: {  	_ =	shalt  }
0x43: {  	_ =	shalt  }
0x44: {  	_ =	shalt  }
0x45: {  	_ =	shalt  }
0x46: {  	_ =	shalt  }
0x47: {  	_ =	shalt  }
0x48: {  	_ =	shalt  }
0x49: {  	_ =	shalt  }
0x4a: {  	_ =	shalt  }
0x4b: {  	_ =	shalt  }
0x4c: {  	_ =	shalt  }
0x4d: {  	_ =	shalt  }
0x4e: {  	_ =	shalt  }
0x4f: {  	_ =	shalt  }
0x50: {  	_ =	shalt  }
0x51: {  	_ =	shalt  }
0x52: {  	_ =	shalt  }
0x53: {  	_ =	shalt  }
0x54: {  	_ =	shalt  }
0x55: {  	_ =	shalt  }
0x56: {  	_ =	shalt  }
0x57: {  	_ =	shalt  }
0x58: {  	_ =	shalt  }
0x59: {  	_ =	shalt  }
0x5a: {  	_ =	shalt  }
0x5b: {  	_ =	shalt  }
0x5c: {  	_ =	shalt  }
0x5d: {  	_ =	shalt  }
0x5e: {  	_ =	shalt  }
0x5f: {  	_ =	shalt  }
0x60: {  	_ =	shalt  }
0x61: {  	_ =	shalt  }
0x62: {  	_ =	shalt  }
0x63: {  	_ =	shalt  }
0x64: {  	_ =	shalt  }
0x65: {  	_ =	shalt  }
0x66: {  	_ =	shalt  }
0x67: {  	_ =	shalt  }
0x68: {  	_ =	shalt  }
0x69: {  	_ =	shalt  }
0x6a: {  	_ =	shalt  }
0x6b: {  	_ =	shalt  }
0x6c: {  	_ =	shalt  }
0x6d: {  	_ =	shalt  }
0x6e: {  	_ =	shalt  }
0x6f: {  	_ =	shalt  }
0x70: {  	_ =	shalt  }
0x71: {  	_ =	shalt  }
0x72: {  	_ =	shalt  }
0x73: {  	_ =	shalt  }
0x74: {  	_ =	shalt  }
0x75: {  	_ =	shalt  }
0x76: {  	_ =	shalt  }
0x77: {  	_ =	shalt  }
0x78: {  	_ =	shalt  }
0x79: {  	_ =	shalt  }
0x7a: {  	_ =	shalt  }
0x7b: {  	_ =	shalt  }
0x7c: {  	_ =	shalt  }
0x7d: {  	_ =	shalt  }
0x7e: {  	_ =	shalt  }
0x7f: {  	_ =	shalt  }
0x80: {  	_ =	shalt  }
0x81: {  	_ =	shalt  }
0x82: {  	_ =	shalt  }
0x83: {  	_ =	shalt  }
0x84: {  	_ =	shalt  }
0x85: {  	_ =	shalt  }
0x86: {  	_ =	shalt  }
0x87: {  	_ =	shalt  }
.Lfunc_end0:
.L_simem_size_0:
called_computation_lowered:
.L_overlay_start_0:
0x88: {  	s2 =	sld [smem:$0x3FD9]  }
0x89: {  	s3 =	sld [smem:$0x3FFE];
	_ =	sdelay $0x1  }
0x8a: {  	s1 =	srdreg.scid  }
0x8b: {  	s0 =	sand.u32 $0x1, s1  }
0x8c: {  	s17 =	sshll.u32 s0, $0xA;
	s2 =	sadd.s32 s3, s2  }
0x8d: {  	s2 =	sadd.s32 s2, s17  }
0x8e: {  	[smem:$0x3FC3] =	sst s2  }
0x8f: {  	_ = 	snop  }
0x90: {  	s2 =	sld [smem:$0x3FC8]  }
0x91: {  	s18 =	sld [smem:$0x3FC7]  }
0x92: {  	s4 =	sld [smem:$0x3FC5]  }
0x93: {  	s5 =	sld [smem:$0x3FD0];
	(tm) =	ssettm $0x1  }
0x94: {  	s6 =	sld [smem:$0x3FFB];
	_ =	sdelay $0x3  }
0x95: {  	_ =	strace s6  }
0x96: {  	s6 =	sld [smem:$0x3FFC];
	_ =	sdelay $0x3  }
0x97: {  	_ =	strace s6  }
0x98: {  	s6 =	sld [smem:$0x3FFD];
	_ =	sdelay $0x3  }
0x99: {  	_ =	strace s6  }
0x9a: {  	_ =	strace $0x8FFFFFFF  }
0x9b: {  	s19 =	sld [smem:$0x3FDB];
	_ =	sdelay $0x1  }
0x9c: {  	s7 =	simm.s32 $_scs_section_size  }
0x9d: {  	s8 =	simm.s32 $_size__tile_overlayer_lowered;
	s9 =	simm.s32 $_tile_overlayer_lowered  }
0x9e: {  	s22 =	simm.s32 $0x1BFF;
	s21 =	sshll.u32 s9, $0x1;
	s6 =	sadd.s32 s7, s19  }
0x9f: {  	s10 =	simm.s32 $0x0;
	s20 =	sshll.u32 s8, $0x1;
	s8 =	sadd.s32 s21, s6  }
0xa0: {  	[timem:s10], [sflag:s22] =	dma.local [hbm:s8], s20  }
0xa1: {  	_ =	swait.ge [sflag:s22], s20  }
0xa2: {  	s7 =	ssub.s32 $0x0, s20;
	[sflag:s22] =	ssyncset.done $0x0  }
0xa3: {  	[sflag:s22] =	ssyncadd.s32 s7;
	_ =	sdelay $0x1  }
0xa4: {  	s23 =	simm.s32 $0x1B8B  }
0xa5: {  	_ =	swait.ge [sflag:s23], $0x1  }
0xa6: {  	[sflag:s23] =	ssyncset.done $0x0  }
0xa7: {  	s25 =	simm.s32 $0x1B8E;
	s24 =	sld [smem:$0x3FFE];
	[sflag:s23] =	ssyncadd.s32 $0xFFFFFFFF  }
0xa8: {  	s26 =	simm.s32 $execute0_lowered;
	[smem:$0x3FD2] =	sst s25  }
0xa9: {  	s8 =	sshll.u32 s26, $0x1;
	_ =	strace $0x80000046;
	[dreg:$0x1] =	wrdreg $0xFFFFFFFF  }
0xaa: {  	s28 =	simm.s32 $_size_execute0_lowered;
	s6 =	sadd.s32 s6, s8;
	[dreg:$0x0] =	wrdreg $0x0  }
0xab: {  	s8 =	sshll.u32 s28, $0x1;
	[dreg:$0x2] =	wrdreg s6  }
0xac: {  	[dreg:$0x3] =	wrdreg s8  }
0xad: {  	[dreg:$0x4] =	wrdreg $0xC0  }
0xae: {  	_ =	task [dreg:s10], $0x5FFFF  }
0xaf: {  	[dreg:$0x1] =	wrdreg $0xFFFFFFFF  }
0xb0: {  	[dreg:$0x0] =	wrdreg $0x60  }
0xb1: {  	[dreg:$0x2] =	wrdreg s24  }
0xb2: {  	[dreg:$0x3] =	wrdreg s4  }
0xb3: {  	[dreg:$0x4] =	wrdreg s2  }
0xb4: {  	[dreg:$0x5] =	wrdreg s18  }
0xb5: {  	[dreg:$0x6] =	wrdreg s5  }
0xb6: {  	[dreg:$0x7] =	wrdreg $0x9  }
0xb7: {  	_ =	task.clear_ibuf [dreg:s10], $0x8FFFF;
	_ =	strace $0x90000046  }
0xb8: {  	s29 =	simm.s32 $0x9;
	_ =	strace $0x80000048  }
0xb9: {  	_ =	swait.ge [sflag:s29], $0x1  }
0xba: {  	[sflag:s29] =	ssyncadd.s32 $0xFFFFFFFF  }
0xbb: {  	_ =	strace $0x90000048  }
0xbc: {  	_ =	sfence  }
0xbd: {  	s30 =	sld [smem:$0x0];
	_ =	sdelay $0x2  }
0xbe: {  	s31 =	sshll.u32 s1, $0xD;
	s1 =	sshrl.u32 s1, $0x2  }
0xbf: {  	s3 =	sand.u32 $0x4000, s31;
	s1 =	sadd.s32 s1, s30  }
0xc0: {  	s0 =	sor.u32 s3, s0;
	s1 =	sshll.u32 s1, $0x11  }
0xc1: {  	s0 =	sor.u32 s1, s0  }
0xc2: {  	s0 =	sadd.s32 $0x8F2B, s0  }
0xc3: {  	[sflag:s0] =	ssyncadd.remote.s32 $0x1  }
0xc4: {  	_ =	sfence.sel $0xFFFF  }
0xc5: {  	[dreg:$0x0] =	wrdreg $0xFFFFFFFF;
	(pc) =	sbr.abs _section_cstart, $3  }
0xc6: {  	[dreg:$0x1] =	wrdreg $0xFFFFFFFF  }
0xc7: {  	_ =	task.clear_ibuf [dreg:s10], $0x2FFFF;
	_ =	strace $0x9FFFFFFF  }
0xc8: {  	(tm) =	ssettm $0x7FFFFFFF  }
0xc9: {  	_ =	shalt  }
tec
execute0_lowered:
.L_overlay_start_1:
0x0: {  	(tag) =	ssettag $0x1  }
0x1: {  	s4 =	rddreg [dreg:$0x0]  }
0x2: {  	s3 =	rddreg [dreg:$0x1]  }
0x3: {  	s5 =	rddreg [dreg:$0x2]  }
0x4: {  	s6 =	rddreg [dreg:$0x3]  }
0x5: {  	s7 =	rddreg [dreg:$0x4]  }
0x6: {  	s0 =	rddreg [dreg:$0x5]  }
0x7: {  	s2 =	simm.s32 $0x0;
	s8 =	srdreg.scid;
	s1 =	stileid.u32  }
0x8: {  	s15 =	simm.s32 $0x4180;
	s17 =	simm.s32 $0x80;
	s20 =	simm.s32 $0x4280  }
0x9: {  	s19 =	simm.s32 $0x1;
	s18 =	simm.s32 $0x2;
	s16 =	simm.s32 $0x3  }
0xa: {  	p0 =	por $0x0, $0x0;
	s8 =	sand.u32 $0x1, s8;
	s9 =	sshll.u32 s1, $0x1  }
0xb: {  	[smem:$0x7FF] =	sst s2;
	s9 =	sor.u32 s8, s9;
	s8 =	ssub.s32 $0x2, s8  }
0xc: {  	s10 =	sadd.s32 $0x1000, s4;
	_ =	strace $0x80000047;
	s14 =	sshrl.u32 s8, $0x1  }
0xd: {  	s11 =	sshll.u32 s9, $0xB;
	s12 =	sshll.u32 s9, $0xC;
	s14 =	ssub.s32 s8, s14  }
0xe: {  	s13 =	sshll.u32 s9, $0x5;
	s9 =	sshll.u32 s9, $0x4;
	s23 =	smax.u32 s14, $0x1  }
0xf: {  	s11 =	sadd.s32 s11, s4;
	s12 =	sadd.s32 s12, s4;
	p1 =	sne.s32 s23, $0x1  }
.Ltmp0:
0x10: {  	s4 =	sadd.s32 s13, s4;
	s22 =	sadd.s32 s5, s9;
	(pc) =	sbr.rel @!p1 .LBB2_3-.Ltmp0, $4  }
0x11: {  	s21 =	sadd.s32 s6, s13;
	s7 =	sadd.s32 s7, s9;
	s13 =	simm.s32 $0x100  }
0x12: {  	s9 =	simm.s32 $0xC380;
	s8 =	sadd.s32 $0x401000, s11;
	s6 =	sadd.s32 $0x3E1000, s12  }
0x13: {  	s5 =	sadd.s32 $0x411000, s4;
	s4 =	simm.s32 $0x5;
	s11 =	simm.s32 $0x4380  }
0x14: {  	s12 =	simm.s32 $0x4100;
	s14 =	simm.s32 $0x4;
	s23 =	sadd.s32 $0xFFFFFFFF, s23  }
0x15: {  	[tilespmem:s2], [sflag:$0x5] =	stream.linear.gather [hbm4b:s22+s2], $0x80, $0x38;
	[tilespmem:$0xC480] =	vst v63  }
0x16: {  	_ =	swait.ge [sflag:s4], $0x80  }
0x17: {  	[sflag:s4] =	ssyncset.done $0x0  }
0x18: {  	[sflag:s4] =	ssyncadd.s32 $0xFFFFFF80  }
0x19: {  	[tilespmem:s15], [sflag:$0x5] =	stream.linear.gather [hbm4b:s21+s2], $0x100, $0x38;
	[tilespmem:$0xC480] =	vst v63  }
0x1a: {  	_ =	swait.ge [sflag:s4], $0x100  }
0x1b: {  	[sflag:s4] =	ssyncset.done $0x0  }
0x1c: {  	[sflag:s4] =	ssyncadd.s32 $0xFFFFFF00  }
0x1d: {  	v0 =	vld [tilespmem:$0x4220]  }
0x1e: {  	v1 =	vld [tilespmem:$0x4250]  }
0x1f: {  	v2 =	vld [tilespmem:$0x4240]  }
0x20: {  	v3 =	vld [tilespmem:$0x4270]  }
0x21: {  	v4 =	vld [tilespmem:$0x41B0]  }
0x22: {  	v5 =	vld [tilespmem:$0x20]  }
0x23: {  	v8 =	vld [tilespmem:$0x50]  }
0x24: {  	v57 =	vld [tilespmem:$0x30]  }
0x25: {  	v58 =	vld [tilespmem:$0x10]  }
0x26: {  	v13 =	vld [tilespmem:$0x4230]  }
0x27: {  	v14 =	vld [tilespmem:$0x4180]  }
0x28: {  	v59 =	vld [tilespmem:$0x40];
	v6 =	vshrl.u32 v0, $0x2;
	v0 =	vand.u32 $0xFFF, v0  }
0x29: {  	v17 =	vld [tilespmem:$0x0];
	v7 =	vshrl.u32 v1, $0x2;
	v9 =	vshrl.u32 v2, $0x2;
	v2 =	vand.u32 $0xFFF, v2  }
0x2a: {  	v62 =	vld [tilespmem:$0x41F0];
	v1 =	vand.u32 $0xFFF, v1;
	v10 =	vshrl.u32 v3, $0x2;
	v11 =	vand.u32 $0xFFF, v5  }
0x2b: {  	v63 =	vld [tilespmem:$0x70];
	v12 =	vshrl.u32 v4, $0x2;
	v3 =	vand.u32 $0xFFF, v3;
	v5 =	vshrl.u32 v5, $0x2  }
0x2c: {  	v27 =	vld [tilespmem:$0x41E0];
	v4 =	vand.u32 $0xFFF, v4;
	v15 =	vshrl.u32 v8, $0x2;
	v8 =	vand.u32 $0xFFF, v8  }
0x2d: {  	v30 =	vld [tilespmem:$0x41D0];
	v16 =	vand.u32 $0xFFF, v57;
	v60 =	vand.u32 $0xFFF, v58;
	v18 =	vand.u32 $0xFFF, v14  }
0x2e: {  	v19 =	vshrl.u32 v13, $0x2;
	v20 =	vand.u32 $0xFFF, v13;
	v21 =	vand.u32 $0xFFF, v59  }
0x2f: {  	v14 =	vshrl.u32 v14, $0x2;
	v23 =	vand.u32 $0xFFF, v17;
	v28 =	vand.u32 $0xFFF, v62  }
0x30: {  	v35 =	vld [tilespmem:$0x41C0];
	v29 =	vshrl.u32 v17, $0x2;
	v32 =	vshrl.u32 v63, $0x2;
	v56 =	vand.u32 $0x3FFFF000, v9  }
0x31: {  	v39 =	vshrl.u32 v27, $0x2;
	v6 =	vand.u32 $0x3FFFF000, v6;
	v2 =	vor.u32 v2, v56  }
0x32: {  	v37 =	vld [tilespmem:$0x41A0];
	v41 =	vshrl.u32 v30, $0x2;
	v12 =	vand.u32 $0x3FFFF000, v12;
	v0 =	vor.u32 v0, v6;
	[tilespmem:$0x4340] =	vst v2  }
0x33: {  	v44 =	vand.u32 $0xFFF, v30;
	v15 =	vand.u32 $0x3FFFF000, v15;
	v4 =	vor.u32 v4, v12;
	[tilespmem:$0x4320] =	vst v0  }
0x34: {  	v38 =	vld [tilespmem:$0x60];
	v45 =	vand.u32 $0xFFF, v27;
	v5 =	vand.u32 $0x3FFFF000, v5;
	v8 =	vor.u32 v8, v15;
	[tilespmem:$0x42B0] =	vst v4  }
0x35: {  	v42 =	vld [tilespmem:$0x4260];
	v47 =	vshrl.u32 v35, $0x2;
	v22 =	vand.u32 $0x3FFFF000, v19;
	v61 =	vor.u32 v11, v5;
	[tilespmem:$0xD0] =	vst v8  }
0x36: {  	v49 =	vand.u32 $0xFFF, v35;
	v31 =	vand.u32 $0x3FFFF000, v29;
	v24 =	vor.u32 v20, v22;
	[tilespmem:$0xA0] =	vst v61  }
0x37: {  	v50 =	vshrl.u32 v37, $0x2;
	v26 =	vand.u32 $0x3FFFF000, v14;
	v33 =	vor.u32 v23, v31;
	[tilespmem:$0x4330] =	vst v24  }
0x38: {  	v7 =	vand.u32 $0x3FFFF000, v7;
	v9 =	vshrl.u32 v57, $0x2;
	v36 =	vor.u32 v18, v26;
	[tilespmem:$0x80] =	vst v33  }
0x39: {  	v51 =	vand.u32 $0xFFF, v38;
	v9 =	vand.u32 $0x3FFFF000, v9;
	v1 =	vor.u32 v1, v7;
	[tilespmem:$0x4280] =	vst v36  }
0x3a: {  	v54 =	vand.u32 $0xFFF, v42;
	v7 =	vand.u32 $0x3FFFF000, v39;
	v9 =	vor.u32 v16, v9;
	[tilespmem:$0x4350] =	vst v1  }
0x3b: {  	v48 =	vand.u32 $0x3FFFF000, v47;
	v6 =	vshrl.u32 v58, $0x2;
	v7 =	vor.u32 v45, v7;
	[tilespmem:$0xB0] =	vst v9  }
0x3c: {  	v46 =	vld [tilespmem:$0x4210];
	v12 =	vshrl.u32 v59, $0x2;
	v6 =	vand.u32 $0x3FFFF000, v6;
	v8 =	vor.u32 v49, v48;
	[tilespmem:$0x42E0] =	vst v7  }
0x3d: {  	v34 =	vand.u32 $0x3FFFF000, v32;
	v25 =	vand.u32 $0x3FFFF000, v12;
	v6 =	vor.u32 v60, v6;
	[tilespmem:$0x42C0] =	vst v8  }
0x3e: {  	v52 =	vld [tilespmem:$0x4190];
	v5 =	vshrl.u32 v62, $0x2;
	v0 =	vand.u32 $0xFFF, v63;
	v4 =	vor.u32 v21, v25;
	[tilespmem:$0x90] =	vst v6  }
0x3f: {  	v55 =	vshrl.u32 v42, $0x2;
	v5 =	vand.u32 $0x3FFFF000, v5;
	v0 =	vor.u32 v0, v34;
	[tilespmem:$0xC0] =	vst v4  }
0x40: {  	v40 =	vand.u32 $0x3FFFF000, v10;
	v1 =	vand.u32 $0x3FFFF000, v55;
	v5 =	vor.u32 v28, v5;
	[tilespmem:$0xF0] =	vst v0  }
0x41: {  	v53 =	vld [tilespmem:$0x4200];
	v43 =	vand.u32 $0x3FFFF000, v41;
	v57 =	vand.u32 $0xFFF, v46;
	v1 =	vor.u32 v54, v1;
	[tilespmem:$0x42F0] =	vst v5  }
0x42: {  	v56 =	vshrl.u32 v46, $0x2;
	v2 =	vshrl.u32 v38, $0x2;
	v0 =	vor.u32 v3, v40;
	[tilespmem:$0x4360] =	vst v1  }
0x43: {  	v59 =	vshrl.u32 v52, $0x2;
	v2 =	vand.u32 $0x3FFFF000, v2;
	v3 =	vor.u32 v44, v43;
	[tilespmem:$0x4370] =	vst v0  }
0x44: {  	v6 =	vand.u32 $0xFFF, v37;
	v2 =	vor.u32 v51, v2;
	v0 =	vand.u32 $0x3FFFF000, v50;
	[tilespmem:$0x42D0] =	vst v3  }
0x45: {  	v60 =	vand.u32 $0xFFF, v52;
	[tilespmem:$0xE0] =	vst v2;
	v2 =	vand.u32 $0x3FFFF000, v59;
	v0 =	vor.u32 v6, v0  }
0x46: {  	v58 =	vand.u32 $0x3FFFF000, v56;
	v61 =	vshrl.u32 v53, $0x2;
	v2 =	vor.u32 v60, v2;
	[tilespmem:$0x42A0] =	vst v0  }
0x47: {  	v62 =	vand.u32 $0xFFF, v53;
	v63 =	vand.u32 $0x3FFFF000, v61;
	v0 =	vor.u32 v57, v58;
	[tilespmem:$0x4290] =	vst v2  }
0x48: {  	[tilespmem:$0x4310] =	vst v0;
	v0 =	vor.u32 v62, v63  }
0x49: {  	[tilespmem:$0x4300] =	vst v0  }
0x4a: {  	[tilespmem:s13], [sflag:$0x1] =	stream.indirect.gather [hbm4b:s10+s17], $0x80, s17, s17, $0xb8;
	[tilespmem:$0xC480] =	vst v63  }
0x4b: {  	_ = 	snop  }
0x4c: {  	[tilespmem:s11], [sflag:$0x2] =	stream.indirect.gather [hbm4b:s10+s13], $0x80, s20, s13, $0xb8;
	[tilespmem:$0xC480] =	vst v63  }
0x4d: {  	_ = 	snop  }
0x4e: {  	[tilespmem:s12], [sflag:$0x3] =	stream.indirect.gather [hbm4b:s3+s17], $0x1, s2, s17, $0xb8;
	[tilespmem:$0xC480] =	vst v63  }
0x4f: {  	_ = 	snop  }
0x50: {  	[tilespmem:s9], [sflag:$0x4] =	stream.indirect.gather [hbm4b:s3+s13], $0x1, s15, s13, $0xb8;
	[tilespmem:$0xC480] =	vst v63  }
0x51: {  	_ =	swait.ge [sflag:s19], $0x4000  }
0x52: {  	[sflag:s19] =	ssyncset.done $0x0  }
0x53: {  	[sflag:s19] =	ssyncadd.s32 $0xFFFFC000  }
0x54: {  	_ =	swait.ge [sflag:s18], $0x8000  }
0x55: {  	[sflag:s18] =	ssyncset.done $0x0  }
0x56: {  	[sflag:s18] =	ssyncadd.s32 $0xFFFF8000  }
0x57: {  	_ =	swait.ge [sflag:s16], $0x80  }
0x58: {  	[sflag:s16] =	ssyncset.done $0x0  }
0x59: {  	[sflag:s16] =	ssyncadd.s32 $0xFFFFFF80  }
0x5a: {  	_ =	swait.ge [sflag:s14], $0x100  }
0x5b: {  	[sflag:s14] =	ssyncset.done $0x0  }
0x5c: {  	p1 =	sne.s32 s23, $0x1;
	[sflag:s14] =	ssyncadd.s32 $0xFFFFFF00  }
0x5d: {  	[hbm4b:s8+s2] =	stream.linear.scatter [tilespmem:s13], [sflag:$0x5], $0x4000, $0x38;
	[tilespmem:$0xC480] =	vst v63  }
.Ltmp1:
0x5e: {  	_ =	swait.ge [sflag:s4], $0x4000;
	(pc) =	sbr.rel @!p1 .LBB2_3-.Ltmp1, $4  }
0x5f: {  	[sflag:s4] =	ssyncset.done $0x0  }
0x60: {  	[sflag:s4] =	ssyncadd.s32 $0xFFFFC000  }
0x61: {  	[hbm4b:s7+s2] =	stream.linear.scatter [tilespmem:s12], [sflag:$0x5], $0x80, $0x38;
	[tilespmem:$0xC480] =	vst v63  }
0x62: {  	s23 =	sadd.s32 $0xFFFFFFFF, s23;
	p0 =	por $0x1, $0x1;
	_ =	swait.ge [sflag:s4], $0x80  }
.LBB2_2:
0x63: {  	p1 =	sne.s32 s23, $0x1;
	s23 =	sadd.s32 $0xFFFFFFFF, s23;
	[sflag:s4] =	ssyncset.done $0x0  }
0x64: {  	[sflag:s4] =	ssyncadd.s32 $0xFFFFFF80  }
0x65: {  	[hbm4b:s6+s2] =	stream.linear.scatter [tilespmem:s11], [sflag:$0x5], $0x8000, $0x38;
	[tilespmem:$0xC480] =	vst v63  }
0x66: {  	_ =	swait.ge [sflag:s4], $0x8000  }
0x67: {  	[sflag:s4] =	ssyncset.done $0x0  }
0x68: {  	[sflag:s4] =	ssyncadd.s32 $0xFFFF8000  }
0x69: {  	[hbm4b:s5+s2] =	stream.linear.scatter [tilespmem:s9], [sflag:$0x5], $0x100, $0x38;
	[tilespmem:$0xC480] =	vst v63  }
0x6a: {  	_ =	swait.ge [sflag:s4], $0x100  }
0x6b: {  	[sflag:s4] =	ssyncset.done $0x0  }
0x6c: {  	[sflag:s4] =	ssyncadd.s32 $0xFFFFFF00  }
0x6d: {  	[tilespmem:s2], [sflag:$0x5] =	stream.linear.gather [hbm4b:s22+s2], $0x80, $0x38;
	[tilespmem:$0xC480] =	vst v63  }
0x6e: {  	_ =	swait.ge [sflag:s4], $0x80  }
0x6f: {  	[sflag:s4] =	ssyncset.done $0x0  }
0x70: {  	[sflag:s4] =	ssyncadd.s32 $0xFFFFFF80  }
0x71: {  	[tilespmem:s15], [sflag:$0x5] =	stream.linear.gather [hbm4b:s21+s2], $0x100, $0x38;
	[tilespmem:$0xC480] =	vst v63  }
0x72: {  	_ =	swait.ge [sflag:s4], $0x100  }
0x73: {  	[sflag:s4] =	ssyncset.done $0x0  }
0x74: {  	[sflag:s4] =	ssyncadd.s32 $0xFFFFFF00  }
0x75: {  	v0 =	vld [tilespmem:$0x4220]  }
0x76: {  	v1 =	vld [tilespmem:$0x4250]  }
0x77: {  	v2 =	vld [tilespmem:$0x4240]  }
0x78: {  	v3 =	vld [tilespmem:$0x4270]  }
0x79: {  	v4 =	vld [tilespmem:$0x41B0]  }
0x7a: {  	v5 =	vld [tilespmem:$0x20];
	v6 =	vshrl.u32 v0, $0x2  }
0x7b: {  	v0 =	vand.u32 $0xFFF, v0;
	v6 =	vand.u32 $0x3FFFF000, v6;
	v7 =	vshrl.u32 v1, $0x2  }
0x7c: {  	v8 =	vld [tilespmem:$0x50];
	v0 =	vor.u32 v0, v6;
	v6 =	vshrl.u32 v2, $0x2;
	v7 =	vand.u32 $0x3FFFF000, v7  }
0x7d: {  	v1 =	vand.u32 $0xFFF, v1;
	v2 =	vand.u32 $0xFFF, v2;
	v9 =	vld [tilespmem:$0x30];
	v6 =	vand.u32 $0x3FFFF000, v6  }
0x7e: {  	v10 =	vld [tilespmem:$0x10];
	v2 =	vor.u32 v2, v6;
	v6 =	vshrl.u32 v3, $0x2  }
0x7f: {  	v12 =	vshrl.u32 v4, $0x2;
	v11 =	vand.u32 $0xFFF, v5;
	v13 =	vld [tilespmem:$0x4230];
	[tilespmem:$0x4340] =	vst v2;
	v2 =	vand.u32 $0xFFF, v3  }
0x80: {  	v4 =	vand.u32 $0xFFF, v4;
	v3 =	vshrl.u32 v5, $0x2;
	v12 =	vand.u32 $0x3FFFF000, v12;
	v5 =	vld [tilespmem:$0x4180]  }
0x81: {  	v3 =	vand.u32 $0x3FFFF000, v3;
	v4 =	vor.u32 v4, v12;
	v14 =	vshrl.u32 v8, $0x2;
	[tilespmem:$0x4320] =	vst v0  }
0x82: {  	v8 =	vand.u32 $0xFFF, v8;
	v0 =	vand.u32 $0xFFF, v9;
	v12 =	vld [tilespmem:$0x40];
	v14 =	vand.u32 $0x3FFFF000, v14  }
0x83: {  	v9 =	vshrl.u32 v9, $0x2;
	v15 =	vld [tilespmem:$0x0];
	v16 =	vand.u32 $0xFFF, v10;
	v8 =	vor.u32 v8, v14;
	[tilespmem:$0x42B0] =	vst v4  }
0x84: {  	v3 =	vor.u32 v11, v3;
	v4 =	vshrl.u32 v10, $0x2;
	v9 =	vand.u32 $0x3FFFF000, v9;
	[tilespmem:$0xD0] =	vst v8;
	v8 =	vld [tilespmem:$0x41F0]  }
0x85: {  	v4 =	vand.u32 $0x3FFFF000, v4;
	v0 =	vor.u32 v0, v9;
	[tilespmem:$0xA0] =	vst v3;
	v3 =	vld [tilespmem:$0x70];
	v9 =	vand.u32 $0xFFF, v5  }
0x86: {  	v10 =	vand.u32 $0xFFF, v13;
	v4 =	vor.u32 v16, v4;
	[tilespmem:$0xB0] =	vst v0;
	v0 =	vshrl.u32 v13, $0x2  }
0x87: {  	v5 =	vshrl.u32 v5, $0x2;
	[tilespmem:$0x90] =	vst v4;
	v4 =	vand.u32 $0xFFF, v12;
	v0 =	vand.u32 $0x3FFFF000, v0  }
0x88: {  	v12 =	vshrl.u32 v12, $0x2;
	v11 =	vand.u32 $0xFFF, v15;
	v0 =	vor.u32 v10, v0  }
0x89: {  	v5 =	vand.u32 $0x3FFFF000, v5;
	v10 =	vand.u32 $0x3FFFF000, v12;
	v12 =	vld [tilespmem:$0x41E0];
	v13 =	vand.u32 $0xFFF, v8;
	[tilespmem:$0x4330] =	vst v0  }
0x8a: {  	v0 =	vshrl.u32 v15, $0x2;
	v4 =	vor.u32 v4, v10;
	v8 =	vshrl.u32 v8, $0x2;
	v10 =	vld [tilespmem:$0x41D0]  }
0x8b: {  	v0 =	vand.u32 $0x3FFFF000, v0;
	[tilespmem:$0xC0] =	vst v4;
	v4 =	vshrl.u32 v3, $0x2;
	v3 =	vand.u32 $0xFFF, v3  }
0x8c: {  	v5 =	vor.u32 v9, v5;
	v0 =	vor.u32 v11, v0;
	v4 =	vand.u32 $0x3FFFF000, v4;
	v9 =	vld [tilespmem:$0x41C0]  }
0x8d: {  	v1 =	vor.u32 v1, v7;
	[tilespmem:$0x80] =	vst v0;
	v0 =	vor.u32 v3, v4;
	v3 =	vld [tilespmem:$0x41A0];
	v4 =	vand.u32 $0x3FFFF000, v8  }
0x8e: {  	v6 =	vand.u32 $0x3FFFF000, v6;
	v7 =	vld [tilespmem:$0x60];
	[tilespmem:$0xF0] =	vst v0;
	v0 =	vshrl.u32 v12, $0x2;
	v4 =	vor.u32 v13, v4  }
0x8f: {  	v2 =	vor.u32 v2, v6;
	[tilespmem:$0x4280] =	vst v5;
	v5 =	vshrl.u32 v10, $0x2;
	v0 =	vand.u32 $0x3FFFF000, v0;
	v8 =	vld [tilespmem:$0x4260]  }
0x90: {  	v6 =	vand.u32 $0xFFF, v10;
	v10 =	vand.u32 $0xFFF, v12;
	v5 =	vand.u32 $0x3FFFF000, v5;
	[tilespmem:$0x42F0] =	vst v4;
	v4 =	vld [tilespmem:$0x4210]  }
0x91: {  	v0 =	vor.u32 v10, v0;
	v11 =	vshrl.u32 v9, $0x2;
	v5 =	vor.u32 v6, v5;
	v6 =	vld [tilespmem:$0x4200]  }
0x92: {  	v9 =	vand.u32 $0xFFF, v9;
	v10 =	vshrl.u32 v3, $0x2;
	v11 =	vand.u32 $0x3FFFF000, v11;
	[tilespmem:$0x4370] =	vst v2  }
0x93: {  	v2 =	vand.u32 $0xFFF, v7;
	v12 =	vld [tilespmem:$0x4190];
	v10 =	vand.u32 $0x3FFFF000, v10;
	v9 =	vor.u32 v9, v11;
	[tilespmem:$0x42E0] =	vst v0  }
0x94: {  	v3 =	vand.u32 $0xFFF, v3;
	v0 =	vshrl.u32 v7, $0x2;
	[tilespmem:$0x42C0] =	vst v9;
	v7 =	vand.u32 $0xFFF, v8  }
0x95: {  	v0 =	vand.u32 $0x3FFFF000, v0;
	v3 =	vor.u32 v3, v10;
	[tilespmem:$0x4350] =	vst v1;
	v1 =	vshrl.u32 v8, $0x2  }
0x96: {  	v0 =	vor.u32 v2, v0;
	v2 =	vshrl.u32 v4, $0x2;
	v4 =	vand.u32 $0xFFF, v4;
	[tilespmem:$0x42D0] =	vst v5  }
0x97: {  	v2 =	vand.u32 $0x3FFFF000, v2;
	v1 =	vand.u32 $0x3FFFF000, v1;
	[tilespmem:$0x42A0] =	vst v3;
	v3 =	vand.u32 $0xFFF, v6  }
0x98: {  	v2 =	vor.u32 v4, v2;
	v1 =	vor.u32 v7, v1;
	[tilespmem:$0xE0] =	vst v0;
	v0 =	vshrl.u32 v12, $0x2  }
0x99: {  	v5 =	vshrl.u32 v6, $0x2;
	v4 =	vand.u32 $0xFFF, v12;
	v0 =	vand.u32 $0x3FFFF000, v0;
	[tilespmem:$0x4310] =	vst v2  }
0x9a: {  	v2 =	vand.u32 $0x3FFFF000, v5;
	v0 =	vor.u32 v4, v0;
	[tilespmem:$0x4360] =	vst v1  }
0x9b: {  	[tilespmem:$0x4290] =	vst v0;
	v0 =	vor.u32 v3, v2  }
0x9c: {  	[tilespmem:$0x4300] =	vst v0  }
0x9d: {  	[tilespmem:s13], [sflag:$0x1] =	stream.indirect.gather [hbm4b:s10+s17], $0x80, s17, s17, $0xb8;
	[tilespmem:$0xC480] =	vst v63  }
0x9e: {  	_ = 	snop  }
0x9f: {  	[tilespmem:s11], [sflag:$0x2] =	stream.indirect.gather [hbm4b:s10+s13], $0x80, s20, s13, $0xb8;
	[tilespmem:$0xC480] =	vst v63  }
0xa0: {  	_ = 	snop  }
0xa1: {  	[tilespmem:s12], [sflag:$0x3] =	stream.indirect.gather [hbm4b:s3+s17], $0x1, s2, s17, $0xb8;
	[tilespmem:$0xC480] =	vst v63  }
0xa2: {  	_ = 	snop  }
0xa3: {  	[tilespmem:s9], [sflag:$0x4] =	stream.indirect.gather [hbm4b:s3+s13], $0x1, s15, s13, $0xb8;
	[tilespmem:$0xC480] =	vst v63  }
0xa4: {  	_ =	swait.ge [sflag:s19], $0x4000  }
0xa5: {  	[sflag:s19] =	ssyncset.done $0x0  }
0xa6: {  	[sflag:s19] =	ssyncadd.s32 $0xFFFFC000  }
0xa7: {  	_ =	swait.ge [sflag:s18], $0x8000  }
0xa8: {  	[sflag:s18] =	ssyncset.done $0x0  }
0xa9: {  	[sflag:s18] =	ssyncadd.s32 $0xFFFF8000  }
0xaa: {  	_ =	swait.ge [sflag:s16], $0x80  }
0xab: {  	[sflag:s16] =	ssyncset.done $0x0  }
0xac: {  	[sflag:s16] =	ssyncadd.s32 $0xFFFFFF80  }
0xad: {  	_ =	swait.ge [sflag:s14], $0x100  }
0xae: {  	[sflag:s14] =	ssyncset.done $0x0  }
0xaf: {  	[sflag:s14] =	ssyncadd.s32 $0xFFFFFF00  }
0xb0: {  	[hbm4b:s8+s2] =	stream.linear.scatter [tilespmem:s13], [sflag:$0x5], $0x4000, $0x38;
	[tilespmem:$0xC480] =	vst v63  }
.Ltmp2:
0xb1: {  	_ =	swait.ge [sflag:s4], $0x4000;
	(pc) =	sbr.rel @p1 .LBB2_2-.Ltmp2, $4  }
0xb2: {  	[sflag:s4] =	ssyncset.done $0x0  }
0xb3: {  	[sflag:s4] =	ssyncadd.s32 $0xFFFFC000  }
0xb4: {  	[hbm4b:s7+s2] =	stream.linear.scatter [tilespmem:s12], [sflag:$0x5], $0x80, $0x38;
	[tilespmem:$0xC480] =	vst v63  }
0xb5: {  	_ =	swait.ge [sflag:s4], $0x80  }
.LBB2_3:
0xb6: {  	[sflag:s4] =	ssyncset.done @p0 $0x0  }
0xb7: {  	[sflag:s4] =	ssyncadd.s32 @p0 $0xFFFFFF80  }
0xb8: {  	[hbm4b:s6+s2] =	stream.linear.scatter @p0 [tilespmem:s11], [sflag:$0x5], $0x8000, $0x38;
	[tilespmem:$0xC480] =	vst v63  }
0xb9: {  	_ =	swait.ge @p0 [sflag:s4], $0x8000  }
0xba: {  	[sflag:s4] =	ssyncset.done @p0 $0x0  }
0xbb: {  	[sflag:s4] =	ssyncadd.s32 @p0 $0xFFFF8000  }
0xbc: {  	[hbm4b:s5+s2] =	stream.linear.scatter @p0 [tilespmem:s9], [sflag:$0x5], $0x100, $0x38;
	[tilespmem:$0xC480] =	vst v63  }
0xbd: {  	_ =	swait.ge @p0 [sflag:s4], $0x100  }
0xbe: {  	[sflag:s4] =	ssyncset.done @p0 $0x0  }
0xbf: {  	[sflag:s4] =	ssyncadd.s32 @p0 $0xFFFFFF00  }
0xc0: {  	[tilespmem:s2], [sflag:$0x5] =	stream.linear.gather [hbm4b:s22+s2], $0x80, $0x38;
	[tilespmem:$0xC480] =	vst v63  }
0xc1: {  	_ =	swait.ge [sflag:s4], $0x80  }
0xc2: {  	[sflag:s4] =	ssyncset.done $0x0  }
0xc3: {  	[sflag:s4] =	ssyncadd.s32 $0xFFFFFF80  }
0xc4: {  	[tilespmem:s15], [sflag:$0x5] =	stream.linear.gather [hbm4b:s21+s2], $0x100, $0x38;
	[tilespmem:$0xC480] =	vst v63  }
0xc5: {  	_ =	swait.ge [sflag:s4], $0x100  }
0xc6: {  	[sflag:s4] =	ssyncset.done $0x0  }
0xc7: {  	[sflag:s4] =	ssyncadd.s32 $0xFFFFFF00  }
0xc8: {  	v0 =	vld [tilespmem:$0x4220]  }
0xc9: {  	v1 =	vld [tilespmem:$0x4250]  }
0xca: {  	v2 =	vld [tilespmem:$0x4240]  }
0xcb: {  	v3 =	vld [tilespmem:$0x4270]  }
0xcc: {  	v4 =	vld [tilespmem:$0x41B0]  }
0xcd: {  	v5 =	vld [tilespmem:$0x20]  }
0xce: {  	v8 =	vld [tilespmem:$0x50]  }
0xcf: {  	v57 =	vld [tilespmem:$0x30]  }
0xd0: {  	v58 =	vld [tilespmem:$0x10]  }
0xd1: {  	v13 =	vld [tilespmem:$0x4230]  }
0xd2: {  	v14 =	vld [tilespmem:$0x4180]  }
0xd3: {  	v59 =	vld [tilespmem:$0x40];
	v6 =	vshrl.u32 v0, $0x2;
	v0 =	vand.u32 $0xFFF, v0  }
0xd4: {  	v17 =	vld [tilespmem:$0x0];
	v7 =	vshrl.u32 v1, $0x2;
	v9 =	vshrl.u32 v2, $0x2;
	v2 =	vand.u32 $0xFFF, v2  }
0xd5: {  	v62 =	vld [tilespmem:$0x41F0];
	v1 =	vand.u32 $0xFFF, v1;
	v10 =	vshrl.u32 v3, $0x2;
	v11 =	vand.u32 $0xFFF, v5  }
0xd6: {  	v63 =	vld [tilespmem:$0x70];
	v12 =	vshrl.u32 v4, $0x2;
	v3 =	vand.u32 $0xFFF, v3;
	v5 =	vshrl.u32 v5, $0x2  }
0xd7: {  	v27 =	vld [tilespmem:$0x41E0];
	v4 =	vand.u32 $0xFFF, v4;
	v15 =	vshrl.u32 v8, $0x2;
	v8 =	vand.u32 $0xFFF, v8  }
0xd8: {  	v30 =	vld [tilespmem:$0x41D0];
	v16 =	vand.u32 $0xFFF, v57;
	v60 =	vand.u32 $0xFFF, v58;
	v18 =	vand.u32 $0xFFF, v14  }
0xd9: {  	v19 =	vshrl.u32 v13, $0x2;
	v20 =	vand.u32 $0xFFF, v13;
	v21 =	vand.u32 $0xFFF, v59  }
0xda: {  	v14 =	vshrl.u32 v14, $0x2;
	v23 =	vand.u32 $0xFFF, v17;
	v28 =	vand.u32 $0xFFF, v62  }
0xdb: {  	v35 =	vld [tilespmem:$0x41C0];
	v29 =	vshrl.u32 v17, $0x2;
	v32 =	vshrl.u32 v63, $0x2;
	v56 =	vand.u32 $0x3FFFF000, v9  }
0xdc: {  	v39 =	vshrl.u32 v27, $0x2;
	v6 =	vand.u32 $0x3FFFF000, v6;
	v2 =	vor.u32 v2, v56  }
0xdd: {  	v37 =	vld [tilespmem:$0x41A0];
	v41 =	vshrl.u32 v30, $0x2;
	v12 =	vand.u32 $0x3FFFF000, v12;
	v0 =	vor.u32 v0, v6;
	[tilespmem:$0x4340] =	vst v2  }
0xde: {  	v44 =	vand.u32 $0xFFF, v30;
	v15 =	vand.u32 $0x3FFFF000, v15;
	v4 =	vor.u32 v4, v12;
	[tilespmem:$0x4320] =	vst v0  }
0xdf: {  	v38 =	vld [tilespmem:$0x60];
	v45 =	vand.u32 $0xFFF, v27;
	v5 =	vand.u32 $0x3FFFF000, v5;
	v8 =	vor.u32 v8, v15;
	[tilespmem:$0x42B0] =	vst v4  }
0xe0: {  	v42 =	vld [tilespmem:$0x4260];
	v47 =	vshrl.u32 v35, $0x2;
	v22 =	vand.u32 $0x3FFFF000, v19;
	v61 =	vor.u32 v11, v5;
	[tilespmem:$0xD0] =	vst v8  }
0xe1: {  	v49 =	vand.u32 $0xFFF, v35;
	v31 =	vand.u32 $0x3FFFF000, v29;
	v24 =	vor.u32 v20, v22;
	[tilespmem:$0xA0] =	vst v61  }
0xe2: {  	v50 =	vshrl.u32 v37, $0x2;
	v26 =	vand.u32 $0x3FFFF000, v14;
	v33 =	vor.u32 v23, v31;
	[tilespmem:$0x4330] =	vst v24  }
0xe3: {  	v7 =	vand.u32 $0x3FFFF000, v7;
	v9 =	vshrl.u32 v57, $0x2;
	v36 =	vor.u32 v18, v26;
	[tilespmem:$0x80] =	vst v33  }
0xe4: {  	v51 =	vand.u32 $0xFFF, v38;
	v9 =	vand.u32 $0x3FFFF000, v9;
	v1 =	vor.u32 v1, v7;
	[tilespmem:$0x4280] =	vst v36  }
0xe5: {  	v54 =	vand.u32 $0xFFF, v42;
	v7 =	vand.u32 $0x3FFFF000, v39;
	v9 =	vor.u32 v16, v9;
	[tilespmem:$0x4350] =	vst v1  }
0xe6: {  	v48 =	vand.u32 $0x3FFFF000, v47;
	v6 =	vshrl.u32 v58, $0x2;
	v7 =	vor.u32 v45, v7;
	[tilespmem:$0xB0] =	vst v9  }
0xe7: {  	v46 =	vld [tilespmem:$0x4210];
	v12 =	vshrl.u32 v59, $0x2;
	v6 =	vand.u32 $0x3FFFF000, v6;
	v8 =	vor.u32 v49, v48;
	[tilespmem:$0x42E0] =	vst v7  }
0xe8: {  	v34 =	vand.u32 $0x3FFFF000, v32;
	v25 =	vand.u32 $0x3FFFF000, v12;
	v6 =	vor.u32 v60, v6;
	[tilespmem:$0x42C0] =	vst v8  }
0xe9: {  	v52 =	vld [tilespmem:$0x4190];
	v5 =	vshrl.u32 v62, $0x2;
	v0 =	vand.u32 $0xFFF, v63;
	v4 =	vor.u32 v21, v25;
	[tilespmem:$0x90] =	vst v6  }
0xea: {  	v55 =	vshrl.u32 v42, $0x2;
	v5 =	vand.u32 $0x3FFFF000, v5;
	v0 =	vor.u32 v0, v34;
	[tilespmem:$0xC0] =	vst v4  }
0xeb: {  	v40 =	vand.u32 $0x3FFFF000, v10;
	v1 =	vand.u32 $0x3FFFF000, v55;
	v5 =	vor.u32 v28, v5;
	[tilespmem:$0xF0] =	vst v0  }
0xec: {  	v53 =	vld [tilespmem:$0x4200];
	v43 =	vand.u32 $0x3FFFF000, v41;
	v57 =	vand.u32 $0xFFF, v46;
	v1 =	vor.u32 v54, v1;
	[tilespmem:$0x42F0] =	vst v5  }
0xed: {  	v56 =	vshrl.u32 v46, $0x2;
	v2 =	vshrl.u32 v38, $0x2;
	v0 =	vor.u32 v3, v40;
	[tilespmem:$0x4360] =	vst v1  }
0xee: {  	v59 =	vshrl.u32 v52, $0x2;
	v2 =	vand.u32 $0x3FFFF000, v2;
	v3 =	vor.u32 v44, v43;
	[tilespmem:$0x4370] =	vst v0  }
0xef: {  	v6 =	vand.u32 $0xFFF, v37;
	v2 =	vor.u32 v51, v2;
	v0 =	vand.u32 $0x3FFFF000, v50;
	[tilespmem:$0x42D0] =	vst v3  }
0xf0: {  	v60 =	vand.u32 $0xFFF, v52;
	[tilespmem:$0xE0] =	vst v2;
	v2 =	vand.u32 $0x3FFFF000, v59;
	v0 =	vor.u32 v6, v0  }
0xf1: {  	v58 =	vand.u32 $0x3FFFF000, v56;
	v61 =	vshrl.u32 v53, $0x2;
	v2 =	vor.u32 v60, v2;
	[tilespmem:$0x42A0] =	vst v0  }
0xf2: {  	v62 =	vand.u32 $0xFFF, v53;
	v63 =	vand.u32 $0x3FFFF000, v61;
	v0 =	vor.u32 v57, v58;
	[tilespmem:$0x4290] =	vst v2  }
0xf3: {  	[tilespmem:$0x4310] =	vst v0;
	v0 =	vor.u32 v62, v63  }
0xf4: {  	[tilespmem:$0x4300] =	vst v0  }
0xf5: {  	[tilespmem:s13], [sflag:$0x1] =	stream.indirect.gather [hbm4b:s10+s17], $0x80, s17, s17, $0xb8;
	[tilespmem:$0xC480] =	vst v63  }
0xf6: {  	_ = 	snop  }
0xf7: {  	[tilespmem:s11], [sflag:$0x2] =	stream.indirect.gather [hbm4b:s10+s13], $0x80, s20, s13, $0xb8;
	[tilespmem:$0xC480] =	vst v63  }
0xf8: {  	_ = 	snop  }
0xf9: {  	[tilespmem:s12], [sflag:$0x3] =	stream.indirect.gather [hbm4b:s3+s17], $0x1, s2, s17, $0xb8;
	[tilespmem:$0xC480] =	vst v63  }
0xfa: {  	_ = 	snop  }
0xfb: {  	[tilespmem:s9], [sflag:$0x4] =	stream.indirect.gather [hbm4b:s3+s13], $0x1, s15, s13, $0xb8;
	[tilespmem:$0xC480] =	vst v63  }
0xfc: {  	_ =	swait.ge [sflag:s19], $0x4000  }
0xfd: {  	[sflag:s19] =	ssyncset.done $0x0  }
0xfe: {  	[sflag:s19] =	ssyncadd.s32 $0xFFFFC000  }
0xff: {  	_ =	swait.ge [sflag:s18], $0x8000  }
0x100: {  	[sflag:s18] =	ssyncset.done $0x0  }
0x101: {  	[sflag:s18] =	ssyncadd.s32 $0xFFFF8000  }
0x102: {  	_ =	swait.ge [sflag:s16], $0x80  }
0x103: {  	[sflag:s16] =	ssyncset.done $0x0  }
0x104: {  	[sflag:s16] =	ssyncadd.s32 $0xFFFFFF80  }
0x105: {  	_ =	swait.ge [sflag:s14], $0x100  }
0x106: {  	[sflag:s14] =	ssyncset.done $0x0  }
0x107: {  	[sflag:s14] =	ssyncadd.s32 $0xFFFFFF00  }
0x108: {  	[hbm4b:s8+s2] =	stream.linear.scatter [tilespmem:s13], [sflag:$0x5], $0x4000, $0x38;
	[tilespmem:$0xC480] =	vst v63  }
0x109: {  	_ =	swait.ge [sflag:s4], $0x4000  }
0x10a: {  	[sflag:s4] =	ssyncset.done $0x0  }
0x10b: {  	[sflag:s4] =	ssyncadd.s32 $0xFFFFC000  }
0x10c: {  	[hbm4b:s7+s2] =	stream.linear.scatter [tilespmem:s12], [sflag:$0x5], $0x80, $0x38;
	[tilespmem:$0xC480] =	vst v63  }
0x10d: {  	_ =	swait.ge [sflag:s4], $0x80  }
0x10e: {  	[sflag:s4] =	ssyncset.done $0x0  }
0x10f: {  	[sflag:s4] =	ssyncadd.s32 $0xFFFFFF80  }
0x110: {  	[hbm4b:s6+s2] =	stream.linear.scatter [tilespmem:s11], [sflag:$0x5], $0x8000, $0x38;
	[tilespmem:$0xC480] =	vst v63  }
0x111: {  	_ =	swait.ge [sflag:s4], $0x8000  }
0x112: {  	[sflag:s4] =	ssyncset.done $0x0  }
0x113: {  	[sflag:s4] =	ssyncadd.s32 $0xFFFF8000  }
0x114: {  	[hbm4b:s5+s2] =	stream.linear.scatter [tilespmem:s9], [sflag:$0x5], $0x100, $0x38;
	[tilespmem:$0xC480] =	vst v63  }
0x115: {  	_ =	swait.ge [sflag:s4], $0x100  }
0x116: {  	[sflag:s4] =	ssyncset.done $0x0  }
0x117: {  	[sflag:s4] =	ssyncadd.s32 $0xFFFFFF00  }
0x118: {  	_ =	sfence.sel $0x180000  }
0x119: {  	[bflag:$0x0] =	sbarrier.arrive $0xFFFF  }
0x11a: {  	p0 =	sne.s32 s1, $0x0;
	_ =	strace $0x90000047  }
0x11b: {  	s0 =	sadd.s32 @!p0 $0x100000, s0;
	[bflag:$0x2] =	sbarrier.arrive $0xFFFF  }
0x11c: {  	[sflag:s0] =	ssyncadd.tile.s32 @!p0 $0x1;
	_ =	shalt  }
.Lfunc_end2:
_tile_overlayer_lowered:
.L_overlay_start_2:
0x11d: {  	(tag) =	ssettag $0x2  }
0x11e: {  	s0 =	rddreg [dreg:$0x0];
	s2 =	stileid.u32  }
0x11f: {  	s1 =	rddreg [dreg:$0x1];
	p0 =	sne.s32 s2, $0x0  }
0x120: {  	s3 =	rddreg [dreg:$0x2];
	[bflag:$0x3] =	sbarrier.arrive $0xFFFF;
	s2 =	simm.s32 @!p0 $0x1C05  }
0x121: {  	[timem:s3], [sflag:s2] =	dma.local @!p0 [hbm:s0], s1  }
0x122: {  	s0 =	simm.s32 @!p0 $0x5  }
0x123: {  	_ =	swait.ge @!p0 [sflag:s0], s1  }
0x124: {  	s1 =	ssub.s32 @!p0 $0x0, s1;
	[sflag:s0] =	ssyncset.done @!p0 $0x0  }
0x125: {  	[sflag:s0] =	ssyncadd.s32 @!p0 s1  }
0x126: {  	[bflag:$0x3] =	sbarrier.arrive $0xFFFF  }
0x127: {  	_ =	shalt  }

</sc_bundles>
